<compile_context>
chip_gen: v7x
topology: tpu7x:2x2x1
jax: 0.10.2.dev20260603
libtpu: 0.0.44.dev20260713+nightly
codegen_flags: <defaults>
</compile_context>

<pallas_src>
import functools
import math

import jax
import jax.numpy as jnp
from jax import lax
from jax.experimental import pallas as pl
from jax.experimental.pallas import tpu as pltpu
from jax.experimental.pallas import tpu_sc as plsc

_EMB = 1024
_SEQ = 2048
_BATCH = 4
_ROWS = _SEQ * _BATCH
_NC, _NS = 2, 16
_NW = _NC * _NS
_RPW = _ROWS // _NW
_C = 16
_NCHUNK = _RPW // _C
_PC = _C // _BATCH
_NBUF = 6
_LANES = 16
_UNROLL = 4
_SCALE = math.sqrt(_EMB)


def _sc_embed(tok_flat, table, pos_embedding):
    mesh = plsc.VectorSubcoreMesh(core_axis_name="c", subcore_axis_name="s")

    @functools.partial(
        pl.kernel,
        out_type=jax.ShapeDtypeStruct((_SEQ, _BATCH, _EMB), jnp.float32),
        mesh=mesh,
        scratch_types=[
            pltpu.VMEM((_RPW,), jnp.int32),
            pltpu.VMEM((_NBUF, _C, _EMB), jnp.float32),
            pltpu.VMEM((_NBUF, _PC, 1, _EMB), jnp.float32),
            pltpu.SemaphoreType.DMA,
            pltpu.SemaphoreType.DMA,
            pltpu.SemaphoreType.DMA,
        ],
    )
    def k(tok_hbm, table_hbm, pe_hbm, out_hbm, idx_v, rows3, pos3, gsem, psem, osem):
        wid = lax.axis_index("s") * _NC + lax.axis_index("c")
        base = wid * _RPW
        pltpu.sync_copy(tok_hbm.at[pl.ds(pl.multiple_of(base, _RPW), _RPW)], idx_v)

        def issue(g, slot):
            ioff = pl.multiple_of(g * _C, _C)
            off = pl.multiple_of(base + g * _C, _C)
            pltpu.async_copy(
                table_hbm.at[idx_v.at[pl.ds(ioff, _C)]], rows3.at[slot], gsem)
            poff = pl.multiple_of(off // _BATCH, _PC)
            pltpu.async_copy(pe_hbm.at[pl.ds(poff, _PC)], pos3.at[slot], psem)

        issue(0, 0)
        issue(1, 1)

        def wait_out():
            for s in range(_PC):
                pltpu.make_async_copy(
                    rows3.at[0, pl.ds(0, _BATCH)], out_hbm.at[0], osem).wait()

        def chunk(g, carry):
            b = lax.rem(g, _NBUF)

            @pl.when(g + 2 < _NCHUNK)
            def _prefetch():
                @pl.when(g >= _NBUF - 2)
                def _drain_old_out():
                    wait_out()
                issue(g + 2, lax.rem(g + 2, _NBUF))

            pltpu.make_async_copy(
                table_hbm.at[idx_v.at[pl.ds(0, _C)]], rows3.at[b], gsem).wait()
            pltpu.make_async_copy(
                pe_hbm.at[pl.ds(0, _PC)], pos3.at[b], psem).wait()

            def quad(q, c2):
                def jstep(jj, c3):
                    for ju in range(_UNROLL):
                        sl = pl.ds((jj * _UNROLL + ju) * _LANES, _LANES)
                        pv = pos3[b, q, 0, sl]
                        for t in range(_BATCH):
                            r = q * _BATCH + t
                            rows3[b, r, sl] = rows3[b, r, sl] * _SCALE + pv
                    return c3

                return lax.fori_loop(0, _EMB // _LANES // _UNROLL, jstep, c2)

            lax.fori_loop(0, _PC, quad, 0)
            soff = (base + g * _C) // _BATCH
            for s in range(_PC):
                pltpu.async_copy(
                    rows3.at[b, pl.ds(s * _BATCH, _BATCH)],
                    out_hbm.at[soff + s], osem)
            return carry

        lax.fori_loop(0, _NCHUNK, chunk, 0)
        for _ in range(_NBUF):
            wait_out()

    return k(tok_flat, table, pos_embedding)


def kernel(tokens, table, pos_embedding):
    tok_flat = tokens.reshape(-1).astype(jnp.int32)
    return _sc_embed(tok_flat, table, pos_embedding)

# --- scband reference (transcript-rebuilt; emitter-appended) ---
"""Pipeline reference for scband-token-embedding-89816356094059 (READ-ONLY COPY).

The authoritative reference and input builder live on the scoring server;
editing this copy changes nothing except your own understanding.
"""

import jax, jax.numpy as jnp
import numpy as np
import math

EMB_SIZE = 1024
VOCAB_SIZE = 100000
MAXLEN = 5000
SEQ_LEN = 2048
BATCH = 4


def _make_pos_embedding():
    den = jnp.exp(-jnp.arange(0, EMB_SIZE, 2, dtype=jnp.float32) * math.log(10000.0) / EMB_SIZE)
    pos = jnp.arange(0, MAXLEN, dtype=jnp.float32).reshape(MAXLEN, 1)
    pe = jnp.zeros((MAXLEN, EMB_SIZE), dtype=jnp.float32)
    pe = pe.at[:, 0::2].set(jnp.sin(pos * den))
    pe = pe.at[:, 1::2].set(jnp.cos(pos * den))
    # unsqueeze(-2): [maxlen, 1, emb_size]
    return pe[:, None, :]


def setup_inputs(seed: int = 0) -> dict:
    key = jax.random.key(seed)
    k_tok, k_tab = jax.random.split(key)
    tokens = jax.random.randint(k_tok, (SEQ_LEN, BATCH), 0, VOCAB_SIZE, dtype=jnp.int64 if jax.config.jax_enable_x64 else jnp.int32)
    table = jax.random.normal(k_tab, (VOCAB_SIZE, EMB_SIZE), dtype=jnp.float32)
    # padding_idx=0 row is zeros in torch nn.Embedding
    table = table.at[0].set(0.0)
    pos_embedding = _make_pos_embedding()
    return {"tokens": tokens, "table": table, "pos_embedding": pos_embedding}


def reference(tokens, table, pos_embedding):
    # embedding lookup (gather) scaled by sqrt(emb_size)
    token_embeddings = jnp.take(table, tokens, axis=0) * math.sqrt(EMB_SIZE)
    # add positional embedding along first (sequence) axis; broadcasts over batch
    token_embeddings = token_embeddings + pos_embedding[: token_embeddings.shape[0], :]
    # dropout is identity at inference
    return token_embeddings

if __name__ == "__main__":
    import jax
    _d = setup_inputs()
    print(jax.jit(kernel)(*tuple(_d.values())))

</pallas_src>

<mosaic_0001>
#map = affine_map<(d0, d1) -> (0)>
#map1 = affine_map<(d0, d1) -> (0, 0)>
#map2 = affine_map<(d0, d1) -> (0, 0, 0)>
module attributes {stable_mosaic.version = 14 : i64} {
  func.func @k(%arg0: i32, %arg1: i32, %arg2: memref<8192xi32, #tpu.memory_space<hbm>>, %arg3: memref<100000x1024xf32, #tpu.memory_space<hbm>>, %arg4: memref<5000x1x1024xf32, #tpu.memory_space<hbm>>, %arg5: memref<2048x4x1024xf32, #tpu.memory_space<hbm>>, %arg6: memref<256xi32, #tpu.memory_space<vmem>>, %arg7: memref<6x16x1024xf32, #tpu.memory_space<vmem>>, %arg8: memref<6x4x1x1024xf32, #tpu.memory_space<vmem>>, %arg9: memref<!tpu.dma_semaphore, #tpu.memory_space<semaphore_mem>>, %arg10: memref<!tpu.dma_semaphore, #tpu.memory_space<semaphore_mem>>, %arg11: memref<!tpu.dma_semaphore, #tpu.memory_space<semaphore_mem>>) attributes {dimension_semantics = [#tpu.dimension_semantics<core_parallel>, #tpu.dimension_semantics<subcore_parallel>], iteration_bounds = array<i64: 2, 16>, scalar_prefetch = 0 : i64, scratch_operands = 6 : i64, tpu.core_type = #tpu.core_type<sc_vector_subcore>, window_params = [{transform_indices = #map}, {transform_indices = #map1}, {transform_indices = #map2}, {transform_indices = #map2}]} {
    %mul3A = arith.constant 2 : i32
    %mul3A_0 = arith.muli %arg1, %mul3A : i32
    %add3A = arith.addi %mul3A_0, %arg0 : i32
    %mul3A_1 = arith.constant 256 : i32
    %mul3A_2 = arith.muli %add3A, %mul3A_1 : i32
    %multiple_of3A = tpu.assume_multiple %mul3A_2, 256 : i32
    "tpu.region"() ({
      %run_scoped3A = tpu.sem_alloc : memref<!tpu.dma_semaphore, #tpu.memory_space<semaphore_mem>>
      %dma_start3A_542 = tpu.memref_slice %arg2[%multiple_of3A] : memref<8192xi32, #tpu.memory_space<hbm>> -> memref<256xi32, #tpu.memory_space<hbm>>
      %dma_start3A_543 = tpu.memref_slice %arg2[%multiple_of3A] : memref<8192xi32, #tpu.memory_space<hbm>> -> memref<256xi32, #tpu.memory_space<hbm>>
      tpu.enqueue_dma source(%dma_start3A_543 : memref<256xi32, #tpu.memory_space<hbm>>) target(%arg6 : memref<256xi32, #tpu.memory_space<vmem>>) target_semaphore(%run_scoped3A : memref<!tpu.dma_semaphore, #tpu.memory_space<semaphore_mem>>)
      %dma_wait3A_544 = tpu.memref_slice %arg2[%multiple_of3A] : memref<8192xi32, #tpu.memory_space<hbm>> -> memref<256xi32, #tpu.memory_space<hbm>>
      %dma_wait3A_545 = tpu.memref_slice %arg2[%multiple_of3A] : memref<8192xi32, #tpu.memory_space<hbm>> -> memref<256xi32, #tpu.memory_space<hbm>>
      tpu.wait_dma2 semaphore(%run_scoped3A : memref<!tpu.dma_semaphore, #tpu.memory_space<semaphore_mem>>) src(%dma_wait3A_545 : memref<256xi32, #tpu.memory_space<hbm>>) dst(%arg6 : memref<256xi32, #tpu.memory_space<vmem>>)
      tpu.yield
    }) : () -> ()
    %multiple_of3A_3 = arith.constant 0 : i32
    %multiple_of3A_4 = tpu.assume_multiple %multiple_of3A_3, 16 : i32
    %add3A_5 = arith.constant 0 : i32
    %add3A_6 = arith.addi %mul3A_2, %add3A_5 : i32
    %multiple_of3A_7 = tpu.assume_multiple %add3A_6, 16 : i32
    %dma_start3A = arith.constant 0 : i32
    %dma_start3A_8 = arith.constant 0 : i32
    %dma_start3A_9 = arith.constant 0 : i32
    %dma_start3A_10 = tpu.memref_slice %arg7[%dma_start3A, %dma_start3A_8, %dma_start3A_9] : memref<6x16x1024xf32, #tpu.memory_space<vmem>> -> memref<1x16x1024xf32, #tpu.memory_space<vmem>>
    %dma_start3A_11 = tpu.memref_squeeze %dma_start3A_10 : memref<1x16x1024xf32, #tpu.memory_space<vmem>> -> memref<16x1024xf32, #tpu.memory_space<vmem>>
    %dma_start3A_12 = tpu.memref_slice %arg6[%multiple_of3A_4] : memref<256xi32, #tpu.memory_space<vmem>> -> memref<16xi32, #tpu.memory_space<vmem>>
    %dma_start3A_13 = arith.constant 0 : i32
    %dma_start3A_14 = arith.constant 0 : i32
    %dma_start3A_15 = tpu.memref_slice %arg3[%dma_start3A_13, %dma_start3A_14] : memref<100000x1024xf32, #tpu.memory_space<hbm>> -> memref<100000x1024xf32, #tpu.memory_space<hbm>>
    tpu.enqueue_indirect_dma source(%dma_start3A_15 : memref<100000x1024xf32, #tpu.memory_space<hbm>>) target(%dma_start3A_11 : memref<16x1024xf32, #tpu.memory_space<vmem>>) offsets(%dma_start3A_12 : memref<16xi32, #tpu.memory_space<vmem>>) semaphore(%arg9 : memref<!tpu.dma_semaphore, #tpu.memory_space<semaphore_mem>>)
    %jit3A = arith.constant 4 : i32
    %div3A = arith.divsi %multiple_of3A_7, %jit3A : i32
    %sign3A = arith.constant 0 : i32
    %sign3A_16 = arith.cmpi sgt, %multiple_of3A_7, %sign3A : i32
    %sign3A_17 = arith.extui %sign3A_16 : i1 to i32
    %sign3A_18 = arith.constant 0 : i32
    %sign3A_19 = arith.cmpi slt, %multiple_of3A_7, %sign3A_18 : i32
    %sign3A_20 = arith.extui %sign3A_19 : i1 to i32
    %sign3A_21 = arith.subi %sign3A_17, %sign3A_20 : i32
    %sign3A_22 = arith.constant 0 : i32
    %sign3A_23 = arith.cmpi sgt, %jit3A, %sign3A_22 : i32
    %sign3A_24 = arith.extui %sign3A_23 : i1 to i32
    %sign3A_25 = arith.constant 0 : i32
    %sign3A_26 = arith.cmpi slt, %jit3A, %sign3A_25 : i32
    %sign3A_27 = arith.extui %sign3A_26 : i1 to i32
    %sign3A_28 = arith.subi %sign3A_24, %sign3A_27 : i32
    %ne3A = arith.cmpi ne, %sign3A_21, %sign3A_28 : i32
    %rem3A = arith.remsi %multiple_of3A_7, %jit3A : i32
    %ne3A_29 = arith.constant 0 : i32
    %ne3A_30 = arith.cmpi ne, %rem3A, %ne3A_29 : i32
    %and3A = arith.andi %ne3A, %ne3A_30 : i1
    %sub3A = arith.constant 1 : i32
    %sub3A_31 = arith.subi %div3A, %sub3A : i32
    %select_n3A = arith.select %and3A, %sub3A_31, %div3A : i32
    %multiple_of3A_32 = tpu.assume_multiple %select_n3A, 4 : i32
    %dma_start3A_33 = arith.constant 0 : i32
    %dma_start3A_34 = arith.constant 0 : i32
    %dma_start3A_35 = arith.constant 0 : i32
    %dma_start3A_36 = arith.constant 0 : i32
    %dma_start3A_37 = tpu.memref_slice %arg8[%dma_start3A_33, %dma_start3A_34, %dma_start3A_35, %dma_start3A_36] : memref<6x4x1x1024xf32, #tpu.memory_space<vmem>> -> memref<1x4x1x1024xf32, #tpu.memory_space<vmem>>
    %dma_start3A_38 = tpu.memref_squeeze %dma_start3A_37 : memref<1x4x1x1024xf32, #tpu.memory_space<vmem>> -> memref<4x1x1024xf32, #tpu.memory_space<vmem>>
    %dma_start3A_39 = arith.constant 0 : i32
    %dma_start3A_40 = arith.constant 0 : i32
    %dma_start3A_41 = tpu.memref_slice %arg4[%multiple_of3A_32, %dma_start3A_39, %dma_start3A_40] : memref<5000x1x1024xf32, #tpu.memory_space<hbm>> -> memref<4x1x1024xf32, #tpu.memory_space<hbm>>
    %dma_start3A_42 = arith.constant 0 : i32
    %dma_start3A_43 = arith.constant 0 : i32
    %dma_start3A_44 = arith.constant 0 : i32
    %dma_start3A_45 = tpu.memref_slice %arg8[%dma_start3A_33, %dma_start3A_42, %dma_start3A_43, %dma_start3A_44] : memref<6x4x1x1024xf32, #tpu.memory_space<vmem>> -> memref<1x4x1x1024xf32, #tpu.memory_space<vmem>>
    %dma_start3A_46 = tpu.memref_squeeze %dma_start3A_45 : memref<1x4x1x1024xf32, #tpu.memory_space<vmem>> -> memref<4x1x1024xf32, #tpu.memory_space<vmem>>
    %dma_start3A_47 = arith.constant 0 : i32
    %dma_start3A_48 = arith.constant 0 : i32
    %dma_start3A_49 = tpu.memref_slice %arg4[%multiple_of3A_32, %dma_start3A_47, %dma_start3A_48] : memref<5000x1x1024xf32, #tpu.memory_space<hbm>> -> memref<4x1x1024xf32, #tpu.memory_space<hbm>>
    tpu.enqueue_dma source(%dma_start3A_49 : memref<4x1x1024xf32, #tpu.memory_space<hbm>>) target(%dma_start3A_46 : memref<4x1x1024xf32, #tpu.memory_space<vmem>>) target_semaphore(%arg10 : memref<!tpu.dma_semaphore, #tpu.memory_space<semaphore_mem>>)
    %multiple_of3A_50 = arith.constant 16 : i32
    %multiple_of3A_51 = tpu.assume_multiple %multiple_of3A_50, 16 : i32
    %add3A_52 = arith.constant 16 : i32
    %add3A_53 = arith.addi %mul3A_2, %add3A_52 : i32
    %multiple_of3A_54 = tpu.assume_multiple %add3A_53, 16 : i32
    %dma_start3A_55 = arith.constant 1 : i32
    %dma_start3A_56 = arith.constant 0 : i32
    %dma_start3A_57 = arith.constant 0 : i32
    %dma_start3A_58 = tpu.memref_slice %arg7[%dma_start3A_55, %dma_start3A_56, %dma_start3A_57] : memref<6x16x1024xf32, #tpu.memory_space<vmem>> -> memref<1x16x1024xf32, #tpu.memory_space<vmem>>
    %dma_start3A_59 = tpu.memref_squeeze %dma_start3A_58 : memref<1x16x1024xf32, #tpu.memory_space<vmem>> -> memref<16x1024xf32, #tpu.memory_space<vmem>>
    %dma_start3A_60 = tpu.memref_slice %arg6[%multiple_of3A_51] : memref<256xi32, #tpu.memory_space<vmem>> -> memref<16xi32, #tpu.memory_space<vmem>>
    %dma_start3A_61 = arith.constant 0 : i32
    %dma_start3A_62 = arith.constant 0 : i32
    %dma_start3A_63 = tpu.memref_slice %arg3[%dma_start3A_61, %dma_start3A_62] : memref<100000x1024xf32, #tpu.memory_space<hbm>> -> memref<100000x1024xf32, #tpu.memory_space<hbm>>
    tpu.enqueue_indirect_dma source(%dma_start3A_63 : memref<100000x1024xf32, #tpu.memory_space<hbm>>) target(%dma_start3A_59 : memref<16x1024xf32, #tpu.memory_space<vmem>>) offsets(%dma_start3A_60 : memref<16xi32, #tpu.memory_space<vmem>>) semaphore(%arg9 : memref<!tpu.dma_semaphore, #tpu.memory_space<semaphore_mem>>)
    %jit3A_64 = arith.constant 4 : i32
    %div3A_65 = arith.divsi %multiple_of3A_54, %jit3A_64 : i32
    %sign3A_66 = arith.constant 0 : i32
    %sign3A_67 = arith.cmpi sgt, %multiple_of3A_54, %sign3A_66 : i32
    %sign3A_68 = arith.extui %sign3A_67 : i1 to i32
    %sign3A_69 = arith.constant 0 : i32
    %sign3A_70 = arith.cmpi slt, %multiple_of3A_54, %sign3A_69 : i32
    %sign3A_71 = arith.extui %sign3A_70 : i1 to i32
    %sign3A_72 = arith.subi %sign3A_68, %sign3A_71 : i32
    %sign3A_73 = arith.constant 0 : i32
    %sign3A_74 = arith.cmpi sgt, %jit3A_64, %sign3A_73 : i32
    %sign3A_75 = arith.extui %sign3A_74 : i1 to i32
    %sign3A_76 = arith.constant 0 : i32
    %sign3A_77 = arith.cmpi slt, %jit3A_64, %sign3A_76 : i32
    %sign3A_78 = arith.extui %sign3A_77 : i1 to i32
    %sign3A_79 = arith.subi %sign3A_75, %sign3A_78 : i32
    %ne3A_80 = arith.cmpi ne, %sign3A_72, %sign3A_79 : i32
    %rem3A_81 = arith.remsi %multiple_of3A_54, %jit3A_64 : i32
    %ne3A_82 = arith.constant 0 : i32
    %ne3A_83 = arith.cmpi ne, %rem3A_81, %ne3A_82 : i32
    %and3A_84 = arith.andi %ne3A_80, %ne3A_83 : i1
    %sub3A_85 = arith.constant 1 : i32
    %sub3A_86 = arith.subi %div3A_65, %sub3A_85 : i32
    %select_n3A_87 = arith.select %and3A_84, %sub3A_86, %div3A_65 : i32
    %multiple_of3A_88 = tpu.assume_multiple %select_n3A_87, 4 : i32
    %dma_start3A_89 = arith.constant 1 : i32
    %dma_start3A_90 = arith.constant 0 : i32
    %dma_start3A_91 = arith.constant 0 : i32
    %dma_start3A_92 = arith.constant 0 : i32
    %dma_start3A_93 = tpu.memref_slice %arg8[%dma_start3A_89, %dma_start3A_90, %dma_start3A_91, %dma_start3A_92] : memref<6x4x1x1024xf32, #tpu.memory_space<vmem>> -> memref<1x4x1x1024xf32, #tpu.memory_space<vmem>>
    %dma_start3A_94 = tpu.memref_squeeze %dma_start3A_93 : memref<1x4x1x1024xf32, #tpu.memory_space<vmem>> -> memref<4x1x1024xf32, #tpu.memory_space<vmem>>
    %dma_start3A_95 = arith.constant 0 : i32
    %dma_start3A_96 = arith.constant 0 : i32
    %dma_start3A_97 = tpu.memref_slice %arg4[%multiple_of3A_88, %dma_start3A_95, %dma_start3A_96] : memref<5000x1x1024xf32, #tpu.memory_space<hbm>> -> memref<4x1x1024xf32, #tpu.memory_space<hbm>>
    %dma_start3A_98 = arith.constant 0 : i32
    %dma_start3A_99 = arith.constant 0 : i32
    %dma_start3A_100 = arith.constant 0 : i32
    %dma_start3A_101 = tpu.memref_slice %arg8[%dma_start3A_89, %dma_start3A_98, %dma_start3A_99, %dma_start3A_100] : memref<6x4x1x1024xf32, #tpu.memory_space<vmem>> -> memref<1x4x1x1024xf32, #tpu.memory_space<vmem>>
    %dma_start3A_102 = tpu.memref_squeeze %dma_start3A_101 : memref<1x4x1x1024xf32, #tpu.memory_space<vmem>> -> memref<4x1x1024xf32, #tpu.memory_space<vmem>>
    %dma_start3A_103 = arith.constant 0 : i32
    %dma_start3A_104 = arith.constant 0 : i32
    %dma_start3A_105 = tpu.memref_slice %arg4[%multiple_of3A_88, %dma_start3A_103, %dma_start3A_104] : memref<5000x1x1024xf32, #tpu.memory_space<hbm>> -> memref<4x1x1024xf32, #tpu.memory_space<hbm>>
    tpu.enqueue_dma source(%dma_start3A_105 : memref<4x1x1024xf32, #tpu.memory_space<hbm>>) target(%dma_start3A_102 : memref<4x1x1024xf32, #tpu.memory_space<vmem>>) target_semaphore(%arg10 : memref<!tpu.dma_semaphore, #tpu.memory_space<semaphore_mem>>)
    %scan3A = arith.constant 0 : i32
    %scan3A_106 = arith.constant 0 : i32
    %scan3A_107 = arith.constant 16 : i32
    %scan3A_108 = arith.addi %scan3A_106, %scan3A_107 : i32
    %scan3A_109 = arith.constant 1 : i32
    scf.for %scan3A_542 = %scan3A_106 to %scan3A_108 step %scan3A_109  : i32 {
      %rem3A_543 = arith.constant 6 : i32
      %rem3A_544 = arith.remsi %scan3A_542, %rem3A_543 : i32
      %add3A_545 = arith.constant 2 : i32
      %add3A_546 = arith.addi %scan3A_542, %add3A_545 : i32
      %lt3A = arith.constant 16 : i32
      %lt3A_547 = arith.cmpi slt, %add3A_546, %lt3A : i32
      %convert_element_type3A = arith.extui %lt3A_547 : i1 to i32
      %cond3A = arith.constant 0 : i32
      %cond3A_548 = arith.cmpi ne, %convert_element_type3A, %cond3A : i32
      scf.if %cond3A_548 {
        %ge3A = arith.constant 4 : i32
        %ge3A_681 = arith.cmpi sge, %scan3A_542, %ge3A : i32
        %convert_element_type3A_682 = arith.extui %ge3A_681 : i1 to i32
        %cond3A_683 = arith.constant 0 : i32
        %cond3A_684 = arith.cmpi ne, %convert_element_type3A_682, %cond3A_683 : i32
        scf.if %cond3A_684 {
          %dma_wait3A_747 = arith.constant 0 : i32
          %dma_wait3A_748 = arith.constant 0 : i32
          %dma_wait3A_749 = arith.constant 0 : i32
          %dma_wait3A_750 = arith.constant 0 : i32
          %dma_wait3A_751 = tpu.memref_slice %arg7[%dma_wait3A_747, %dma_wait3A_749, %dma_wait3A_750] : memref<6x16x1024xf32, #tpu.memory_space<vmem>> -> memref<1x4x1024xf32, #tpu.memory_space<vmem>>
          %dma_wait3A_752 = tpu.memref_squeeze %dma_wait3A_751 : memref<1x4x1024xf32, #tpu.memory_space<vmem>> -> memref<4x1024xf32, #tpu.memory_space<vmem>>
          %dma_wait3A_753 = arith.constant 0 : i32
          %dma_wait3A_754 = arith.constant 0 : i32
          %dma_wait3A_755 = tpu.memref_slice %arg5[%dma_wait3A_748, %dma_wait3A_753, %dma_wait3A_754] : memref<2048x4x1024xf32, #tpu.memory_space<hbm>> -> memref<1x4x1024xf32, #tpu.memory_space<hbm>>
          %dma_wait3A_756 = tpu.memref_squeeze %dma_wait3A_755 : memref<1x4x1024xf32, #tpu.memory_space<hbm>> -> memref<4x1024xf32, #tpu.memory_space<hbm>>
          %dma_wait3A_757 = arith.constant 0 : i32
          %dma_wait3A_758 = arith.constant 0 : i32
          %dma_wait3A_759 = tpu.memref_slice %arg5[%dma_wait3A_748, %dma_wait3A_757, %dma_wait3A_758] : memref<2048x4x1024xf32, #tpu.memory_space<hbm>> -> memref<1x4x1024xf32, #tpu.memory_space<hbm>>
          %dma_wait3A_760 = tpu.memref_squeeze %dma_wait3A_759 : memref<1x4x1024xf32, #tpu.memory_space<hbm>> -> memref<4x1024xf32, #tpu.memory_space<hbm>>
          %dma_wait3A_761 = arith.constant 0 : i32
          %dma_wait3A_762 = arith.constant 0 : i32
          %dma_wait3A_763 = tpu.memref_slice %arg7[%dma_wait3A_747, %dma_wait3A_761, %dma_wait3A_762] : memref<6x16x1024xf32, #tpu.memory_space<vmem>> -> memref<1x4x1024xf32, #tpu.memory_space<vmem>>
          %dma_wait3A_764 = tpu.memref_squeeze %dma_wait3A_763 : memref<1x4x1024xf32, #tpu.memory_space<vmem>> -> memref<4x1024xf32, #tpu.memory_space<vmem>>
          tpu.wait_dma2 semaphore(%arg11 : memref<!tpu.dma_semaphore, #tpu.memory_space<semaphore_mem>>) src(%dma_wait3A_764 : memref<4x1024xf32, #tpu.memory_space<vmem>>) dst(%dma_wait3A_760 : memref<4x1024xf32, #tpu.memory_space<hbm>>)
          %dma_wait3A_765 = arith.constant 0 : i32
          %dma_wait3A_766 = arith.constant 0 : i32
          %dma_wait3A_767 = arith.constant 0 : i32
          %dma_wait3A_768 = arith.constant 0 : i32
          %dma_wait3A_769 = tpu.memref_slice %arg7[%dma_wait3A_765, %dma_wait3A_767, %dma_wait3A_768] : memref<6x16x1024xf32, #tpu.memory_space<vmem>> -> memref<1x4x1024xf32, #tpu.memory_space<vmem>>
          %dma_wait3A_770 = tpu.memref_squeeze %dma_wait3A_769 : memref<1x4x1024xf32, #tpu.memory_space<vmem>> -> memref<4x1024xf32, #tpu.memory_space<vmem>>
          %dma_wait3A_771 = arith.constant 0 : i32
          %dma_wait3A_772 = arith.constant 0 : i32
          %dma_wait3A_773 = tpu.memref_slice %arg5[%dma_wait3A_766, %dma_wait3A_771, %dma_wait3A_772] : memref<2048x4x1024xf32, #tpu.memory_space<hbm>> -> memref<1x4x1024xf32, #tpu.memory_space<hbm>>
          %dma_wait3A_774 = tpu.memref_squeeze %dma_wait3A_773 : memref<1x4x1024xf32, #tpu.memory_space<hbm>> -> memref<4x1024xf32, #tpu.memory_space<hbm>>
          %dma_wait3A_775 = arith.constant 0 : i32
          %dma_wait3A_776 = arith.constant 0 : i32
          %dma_wait3A_777 = tpu.memref_slice %arg5[%dma_wait3A_766, %dma_wait3A_775, %dma_wait3A_776] : memref<2048x4x1024xf32, #tpu.memory_space<hbm>> -> memref<1x4x1024xf32, #tpu.memory_space<hbm>>
          %dma_wait3A_778 = tpu.memref_squeeze %dma_wait3A_777 : memref<1x4x1024xf32, #tpu.memory_space<hbm>> -> memref<4x1024xf32, #tpu.memory_space<hbm>>
          %dma_wait3A_779 = arith.constant 0 : i32
          %dma_wait3A_780 = arith.constant 0 : i32
          %dma_wait3A_781 = tpu.memref_slice %arg7[%dma_wait3A_765, %dma_wait3A_779, %dma_wait3A_780] : memref<6x16x1024xf32, #tpu.memory_space<vmem>> -> memref<1x4x1024xf32, #tpu.memory_space<vmem>>
          %dma_wait3A_782 = tpu.memref_squeeze %dma_wait3A_781 : memref<1x4x1024xf32, #tpu.memory_space<vmem>> -> memref<4x1024xf32, #tpu.memory_space<vmem>>
          tpu.wait_dma2 semaphore(%arg11 : memref<!tpu.dma_semaphore, #tpu.memory_space<semaphore_mem>>) src(%dma_wait3A_782 : memref<4x1024xf32, #tpu.memory_space<vmem>>) dst(%dma_wait3A_778 : memref<4x1024xf32, #tpu.memory_space<hbm>>)
          %dma_wait3A_783 = arith.constant 0 : i32
          %dma_wait3A_784 = arith.constant 0 : i32
          %dma_wait3A_785 = arith.constant 0 : i32
          %dma_wait3A_786 = arith.constant 0 : i32
          %dma_wait3A_787 = tpu.memref_slice %arg7[%dma_wait3A_783, %dma_wait3A_785, %dma_wait3A_786] : memref<6x16x1024xf32, #tpu.memory_space<vmem>> -> memref<1x4x1024xf32, #tpu.memory_space<vmem>>
          %dma_wait3A_788 = tpu.memref_squeeze %dma_wait3A_787 : memref<1x4x1024xf32, #tpu.memory_space<vmem>> -> memref<4x1024xf32, #tpu.memory_space<vmem>>
          %dma_wait3A_789 = arith.constant 0 : i32
          %dma_wait3A_790 = arith.constant 0 : i32
          %dma_wait3A_791 = tpu.memref_slice %arg5[%dma_wait3A_784, %dma_wait3A_789, %dma_wait3A_790] : memref<2048x4x1024xf32, #tpu.memory_space<hbm>> -> memref<1x4x1024xf32, #tpu.memory_space<hbm>>
          %dma_wait3A_792 = tpu.memref_squeeze %dma_wait3A_791 : memref<1x4x1024xf32, #tpu.memory_space<hbm>> -> memref<4x1024xf32, #tpu.memory_space<hbm>>
          %dma_wait3A_793 = arith.constant 0 : i32
          %dma_wait3A_794 = arith.constant 0 : i32
          %dma_wait3A_795 = tpu.memref_slice %arg5[%dma_wait3A_784, %dma_wait3A_793, %dma_wait3A_794] : memref<2048x4x1024xf32, #tpu.memory_space<hbm>> -> memref<1x4x1024xf32, #tpu.memory_space<hbm>>
          %dma_wait3A_796 = tpu.memref_squeeze %dma_wait3A_795 : memref<1x4x1024xf32, #tpu.memory_space<hbm>> -> memref<4x1024xf32, #tpu.memory_space<hbm>>
          %dma_wait3A_797 = arith.constant 0 : i32
          %dma_wait3A_798 = arith.constant 0 : i32
          %dma_wait3A_799 = tpu.memref_slice %arg7[%dma_wait3A_783, %dma_wait3A_797, %dma_wait3A_798] : memref<6x16x1024xf32, #tpu.memory_space<vmem>> -> memref<1x4x1024xf32, #tpu.memory_space<vmem>>
          %dma_wait3A_800 = tpu.memref_squeeze %dma_wait3A_799 : memref<1x4x1024xf32, #tpu.memory_space<vmem>> -> memref<4x1024xf32, #tpu.memory_space<vmem>>
          tpu.wait_dma2 semaphore(%arg11 : memref<!tpu.dma_semaphore, #tpu.memory_space<semaphore_mem>>) src(%dma_wait3A_800 : memref<4x1024xf32, #tpu.memory_space<vmem>>) dst(%dma_wait3A_796 : memref<4x1024xf32, #tpu.memory_space<hbm>>)
          %dma_wait3A_801 = arith.constant 0 : i32
          %dma_wait3A_802 = arith.constant 0 : i32
          %dma_wait3A_803 = arith.constant 0 : i32
          %dma_wait3A_804 = arith.constant 0 : i32
          %dma_wait3A_805 = tpu.memref_slice %arg7[%dma_wait3A_801, %dma_wait3A_803, %dma_wait3A_804] : memref<6x16x1024xf32, #tpu.memory_space<vmem>> -> memref<1x4x1024xf32, #tpu.memory_space<vmem>>
          %dma_wait3A_806 = tpu.memref_squeeze %dma_wait3A_805 : memref<1x4x1024xf32, #tpu.memory_space<vmem>> -> memref<4x1024xf32, #tpu.memory_space<vmem>>
          %dma_wait3A_807 = arith.constant 0 : i32
          %dma_wait3A_808 = arith.constant 0 : i32
          %dma_wait3A_809 = tpu.memref_slice %arg5[%dma_wait3A_802, %dma_wait3A_807, %dma_wait3A_808] : memref<2048x4x1024xf32, #tpu.memory_space<hbm>> -> memref<1x4x1024xf32, #tpu.memory_space<hbm>>
          %dma_wait3A_810 = tpu.memref_squeeze %dma_wait3A_809 : memref<1x4x1024xf32, #tpu.memory_space<hbm>> -> memref<4x1024xf32, #tpu.memory_space<hbm>>
          %dma_wait3A_811 = arith.constant 0 : i32
          %dma_wait3A_812 = arith.constant 0 : i32
          %dma_wait3A_813 = tpu.memref_slice %arg5[%dma_wait3A_802, %dma_wait3A_811, %dma_wait3A_812] : memref<2048x4x1024xf32, #tpu.memory_space<hbm>> -> memref<1x4x1024xf32, #tpu.memory_space<hbm>>
          %dma_wait3A_814 = tpu.memref_squeeze %dma_wait3A_813 : memref<1x4x1024xf32, #tpu.memory_space<hbm>> -> memref<4x1024xf32, #tpu.memory_space<hbm>>
          %dma_wait3A_815 = arith.constant 0 : i32
          %dma_wait3A_816 = arith.constant 0 : i32
          %dma_wait3A_817 = tpu.memref_slice %arg7[%dma_wait3A_801, %dma_wait3A_815, %dma_wait3A_816] : memref<6x16x1024xf32, #tpu.memory_space<vmem>> -> memref<1x4x1024xf32, #tpu.memory_space<vmem>>
          %dma_wait3A_818 = tpu.memref_squeeze %dma_wait3A_817 : memref<1x4x1024xf32, #tpu.memory_space<vmem>> -> memref<4x1024xf32, #tpu.memory_space<vmem>>
          tpu.wait_dma2 semaphore(%arg11 : memref<!tpu.dma_semaphore, #tpu.memory_space<semaphore_mem>>) src(%dma_wait3A_818 : memref<4x1024xf32, #tpu.memory_space<vmem>>) dst(%dma_wait3A_814 : memref<4x1024xf32, #tpu.memory_space<hbm>>)
        } else {
        }
        %add3A_685 = arith.constant 2 : i32
        %add3A_686 = arith.addi %scan3A_542, %add3A_685 : i32
        %add3A_687 = arith.constant 2 : i32
        %add3A_688 = arith.addi %scan3A_542, %add3A_687 : i32
        %rem3A_689 = arith.constant 6 : i32
        %rem3A_690 = arith.remsi %add3A_688, %rem3A_689 : i32
        %mul3A_691 = arith.constant 16 : i32
        %mul3A_692 = arith.muli %add3A_686, %mul3A_691 : i32
        %multiple_of3A_693 = tpu.assume_multiple %mul3A_692, 16 : i32
        %mul3A_694 = arith.constant 16 : i32
        %mul3A_695 = arith.muli %add3A_686, %mul3A_694 : i32
        %add3A_696 = arith.addi %mul3A_2, %mul3A_695 : i32
        %multiple_of3A_697 = tpu.assume_multiple %add3A_696, 16 : i32
        %dma_start3A_698 = arith.constant 0 : i32
        %dma_start3A_699 = arith.constant 0 : i32
        %dma_start3A_700 = tpu.memref_slice %arg7[%rem3A_690, %dma_start3A_698, %dma_start3A_699] : memref<6x16x1024xf32, #tpu.memory_space<vmem>> -> memref<1x16x1024xf32, #tpu.memory_space<vmem>>
        %dma_start3A_701 = tpu.memref_squeeze %dma_start3A_700 : memref<1x16x1024xf32, #tpu.memory_space<vmem>> -> memref<16x1024xf32, #tpu.memory_space<vmem>>
        %dma_start3A_702 = tpu.memref_slice %arg6[%multiple_of3A_693] : memref<256xi32, #tpu.memory_space<vmem>> -> memref<16xi32, #tpu.memory_space<vmem>>
        %dma_start3A_703 = arith.constant 0 : i32
        %dma_start3A_704 = arith.constant 0 : i32
        %dma_start3A_705 = tpu.memref_slice %arg3[%dma_start3A_703, %dma_start3A_704] : memref<100000x1024xf32, #tpu.memory_space<hbm>> -> memref<100000x1024xf32, #tpu.memory_space<hbm>>
        tpu.enqueue_indirect_dma source(%dma_start3A_705 : memref<100000x1024xf32, #tpu.memory_space<hbm>>) target(%dma_start3A_701 : memref<16x1024xf32, #tpu.memory_space<vmem>>) offsets(%dma_start3A_702 : memref<16xi32, #tpu.memory_space<vmem>>) semaphore(%arg9 : memref<!tpu.dma_semaphore, #tpu.memory_space<semaphore_mem>>)
        %jit3A_706 = arith.constant 4 : i32
        %div3A_707 = arith.divsi %multiple_of3A_697, %jit3A_706 : i32
        %sign3A_708 = arith.constant 0 : i32
        %sign3A_709 = arith.cmpi sgt, %multiple_of3A_697, %sign3A_708 : i32
        %sign3A_710 = arith.extui %sign3A_709 : i1 to i32
        %sign3A_711 = arith.constant 0 : i32
        %sign3A_712 = arith.cmpi slt, %multiple_of3A_697, %sign3A_711 : i32
        %sign3A_713 = arith.extui %sign3A_712 : i1 to i32
        %sign3A_714 = arith.subi %sign3A_710, %sign3A_713 : i32
        %sign3A_715 = arith.constant 0 : i32
        %sign3A_716 = arith.cmpi sgt, %jit3A_706, %sign3A_715 : i32
        %sign3A_717 = arith.extui %sign3A_716 : i1 to i32
        %sign3A_718 = arith.constant 0 : i32
        %sign3A_719 = arith.cmpi slt, %jit3A_706, %sign3A_718 : i32
        %sign3A_720 = arith.extui %sign3A_719 : i1 to i32
        %sign3A_721 = arith.subi %sign3A_717, %sign3A_720 : i32
        %ne3A_722 = arith.cmpi ne, %sign3A_714, %sign3A_721 : i32
        %rem3A_723 = arith.remsi %multiple_of3A_697, %jit3A_706 : i32
        %ne3A_724 = arith.constant 0 : i32
        %ne3A_725 = arith.cmpi ne, %rem3A_723, %ne3A_724 : i32
        %and3A_726 = arith.andi %ne3A_722, %ne3A_725 : i1
        %sub3A_727 = arith.constant 1 : i32
        %sub3A_728 = arith.subi %div3A_707, %sub3A_727 : i32
        %select_n3A_729 = arith.select %and3A_726, %sub3A_728, %div3A_707 : i32
        %multiple_of3A_730 = tpu.assume_multiple %select_n3A_729, 4 : i32
        %dma_start3A_731 = arith.constant 0 : i32
        %dma_start3A_732 = arith.constant 0 : i32
        %dma_start3A_733 = arith.constant 0 : i32
        %dma_start3A_734 = tpu.memref_slice %arg8[%rem3A_690, %dma_start3A_731, %dma_start3A_732, %dma_start3A_733] : memref<6x4x1x1024xf32, #tpu.memory_space<vmem>> -> memref<1x4x1x1024xf32, #tpu.memory_space<vmem>>
        %dma_start3A_735 = tpu.memref_squeeze %dma_start3A_734 : memref<1x4x1x1024xf32, #tpu.memory_space<vmem>> -> memref<4x1x1024xf32, #tpu.memory_space<vmem>>
        %dma_start3A_736 = arith.constant 0 : i32
        %dma_start3A_737 = arith.constant 0 : i32
        %dma_start3A_738 = tpu.memref_slice %arg4[%multiple_of3A_730, %dma_start3A_736, %dma_start3A_737] : memref<5000x1x1024xf32, #tpu.memory_space<hbm>> -> memref<4x1x1024xf32, #tpu.memory_space<hbm>>
        %dma_start3A_739 = arith.constant 0 : i32
        %dma_start3A_740 = arith.constant 0 : i32
        %dma_start3A_741 = arith.constant 0 : i32
        %dma_start3A_742 = tpu.memref_slice %arg8[%rem3A_690, %dma_start3A_739, %dma_start3A_740, %dma_start3A_741] : memref<6x4x1x1024xf32, #tpu.memory_space<vmem>> -> memref<1x4x1x1024xf32, #tpu.memory_space<vmem>>
        %dma_start3A_743 = tpu.memref_squeeze %dma_start3A_742 : memref<1x4x1x1024xf32, #tpu.memory_space<vmem>> -> memref<4x1x1024xf32, #tpu.memory_space<vmem>>
        %dma_start3A_744 = arith.constant 0 : i32
        %dma_start3A_745 = arith.constant 0 : i32
        %dma_start3A_746 = tpu.memref_slice %arg4[%multiple_of3A_730, %dma_start3A_744, %dma_start3A_745] : memref<5000x1x1024xf32, #tpu.memory_space<hbm>> -> memref<4x1x1024xf32, #tpu.memory_space<hbm>>
        tpu.enqueue_dma source(%dma_start3A_746 : memref<4x1x1024xf32, #tpu.memory_space<hbm>>) target(%dma_start3A_743 : memref<4x1x1024xf32, #tpu.memory_space<vmem>>) target_semaphore(%arg10 : memref<!tpu.dma_semaphore, #tpu.memory_space<semaphore_mem>>)
      } else {
      }
      %dma_wait3A_549 = arith.constant 0 : i32
      %dma_wait3A_550 = arith.constant 0 : i32
      %dma_wait3A_551 = tpu.memref_slice %arg7[%rem3A_544, %dma_wait3A_549, %dma_wait3A_550] : memref<6x16x1024xf32, #tpu.memory_space<vmem>> -> memref<1x16x1024xf32, #tpu.memory_space<vmem>>
      %dma_wait3A_552 = tpu.memref_squeeze %dma_wait3A_551 : memref<1x16x1024xf32, #tpu.memory_space<vmem>> -> memref<16x1024xf32, #tpu.memory_space<vmem>>
      %dma_wait3A_553 = arith.constant 0 : i32
      %dma_wait3A_554 = tpu.memref_slice %arg6[%dma_wait3A_553] : memref<256xi32, #tpu.memory_space<vmem>> -> memref<16xi32, #tpu.memory_space<vmem>>
      %dma_wait3A_555 = arith.constant 0 : i32
      %dma_wait3A_556 = arith.constant 0 : i32
      %dma_wait3A_557 = tpu.memref_slice %arg3[%dma_wait3A_555, %dma_wait3A_556] : memref<100000x1024xf32, #tpu.memory_space<hbm>> -> memref<100000x1024xf32, #tpu.memory_space<hbm>>
      tpu.wait_indirect_dma semaphore(%arg9 : memref<!tpu.dma_semaphore, #tpu.memory_space<semaphore_mem>>) src(%dma_wait3A_557 : memref<100000x1024xf32, #tpu.memory_space<hbm>>) dst(%dma_wait3A_552 : memref<16x1024xf32, #tpu.memory_space<vmem>>)
      %dma_wait3A_558 = arith.constant 0 : i32
      %dma_wait3A_559 = arith.constant 0 : i32
      %dma_wait3A_560 = arith.constant 0 : i32
      %dma_wait3A_561 = tpu.memref_slice %arg8[%rem3A_544, %dma_wait3A_558, %dma_wait3A_559, %dma_wait3A_560] : memref<6x4x1x1024xf32, #tpu.memory_space<vmem>> -> memref<1x4x1x1024xf32, #tpu.memory_space<vmem>>
      %dma_wait3A_562 = tpu.memref_squeeze %dma_wait3A_561 : memref<1x4x1x1024xf32, #tpu.memory_space<vmem>> -> memref<4x1x1024xf32, #tpu.memory_space<vmem>>
      %dma_wait3A_563 = arith.constant 0 : i32
      %dma_wait3A_564 = arith.constant 0 : i32
      %dma_wait3A_565 = arith.constant 0 : i32
      %dma_wait3A_566 = tpu.memref_slice %arg4[%dma_wait3A_563, %dma_wait3A_564, %dma_wait3A_565] : memref<5000x1x1024xf32, #tpu.memory_space<hbm>> -> memref<4x1x1024xf32, #tpu.memory_space<hbm>>
      %dma_wait3A_567 = arith.constant 0 : i32
      %dma_wait3A_568 = arith.constant 0 : i32
      %dma_wait3A_569 = arith.constant 0 : i32
      %dma_wait3A_570 = tpu.memref_slice %arg8[%rem3A_544, %dma_wait3A_567, %dma_wait3A_568, %dma_wait3A_569] : memref<6x4x1x1024xf32, #tpu.memory_space<vmem>> -> memref<1x4x1x1024xf32, #tpu.memory_space<vmem>>
      %dma_wait3A_571 = tpu.memref_squeeze %dma_wait3A_570 : memref<1x4x1x1024xf32, #tpu.memory_space<vmem>> -> memref<4x1x1024xf32, #tpu.memory_space<vmem>>
      %dma_wait3A_572 = arith.constant 0 : i32
      %dma_wait3A_573 = arith.constant 0 : i32
      %dma_wait3A_574 = arith.constant 0 : i32
      %dma_wait3A_575 = tpu.memref_slice %arg4[%dma_wait3A_572, %dma_wait3A_573, %dma_wait3A_574] : memref<5000x1x1024xf32, #tpu.memory_space<hbm>> -> memref<4x1x1024xf32, #tpu.memory_space<hbm>>
      tpu.wait_dma2 semaphore(%arg10 : memref<!tpu.dma_semaphore, #tpu.memory_space<semaphore_mem>>) src(%dma_wait3A_575 : memref<4x1x1024xf32, #tpu.memory_space<hbm>>) dst(%dma_wait3A_571 : memref<4x1x1024xf32, #tpu.memory_space<vmem>>)
      %scan3A_576 = arith.constant 0 : i32
      %scan3A_577 = arith.constant 0 : i32
      %scan3A_578 = arith.constant 4 : i32
      %scan3A_579 = arith.addi %scan3A_577, %scan3A_578 : i32
      %scan3A_580 = arith.constant 1 : i32
      scf.for %scan3A_681 = %scan3A_577 to %scan3A_579 step %scan3A_580  : i32 {
        %scan3A_682 = arith.constant 0 : i32
        %scan3A_683 = arith.constant 16 : i32
        %scan3A_684 = arith.addi %scan3A_682, %scan3A_683 : i32
        %scan3A_685 = arith.constant 1 : i32
        scf.for %scan3A_687 = %scan3A_682 to %scan3A_684 step %scan3A_685  : i32 {
          %mul3A_688 = arith.constant 4 : i32
          %mul3A_689 = arith.muli %scan3A_687, %mul3A_688 : i32
          %add3A_690 = arith.constant 0 : i32
          %add3A_691 = arith.addi %mul3A_689, %add3A_690 : i32
          %mul3A_692 = arith.constant 16 : i32
          %mul3A_693 = arith.muli %add3A_691, %mul3A_692 : i32
          %get3A = arith.constant 0 : i32
          %get3A_694 = arith.index_cast %rem3A_544 : i32 to index
          %get3A_695 = arith.index_cast %scan3A_681 : i32 to index
          %get3A_696 = arith.index_cast %get3A : i32 to index
          %get3A_697 = arith.index_cast %mul3A_693 : i32 to index
          %get3A_698 = tpu.vector_load %arg8[%get3A_694, %get3A_695, %get3A_696, %get3A_697] {strides = array<i32>} : memref<6x4x1x1024xf32, #tpu.memory_space<vmem>>, vector<1x1x1x16xf32>,
          %get3A_699 = vector.shape_cast %get3A_698 : vector<1x1x1x16xf32> to vector<16xf32>
          %mul3A_700 = arith.constant 4 : i32
          %mul3A_701 = arith.muli %scan3A_681, %mul3A_700 : i32
          %add3A_702 = arith.constant 0 : i32
          %add3A_703 = arith.addi %mul3A_701, %add3A_702 : i32
          %get3A_704 = arith.index_cast %rem3A_544 : i32 to index
          %get3A_705 = arith.index_cast %add3A_703 : i32 to index
          %get3A_706 = arith.index_cast %mul3A_693 : i32 to index
          %get3A_707 = tpu.vector_load %arg7[%get3A_704, %get3A_705, %get3A_706] {strides = array<i32>} : memref<6x16x1024xf32, #tpu.memory_space<vmem>>, vector<1x1x16xf32>,
          %get3A_708 = vector.shape_cast %get3A_707 : vector<1x1x16xf32> to vector<16xf32>
          %mul3A_709 = arith.constant 3.200000e+01 : f32
          %mul3A_710 = vector.broadcast %mul3A_709 : f32 to vector<16xf32>
          %mul3A_711 = arith.mulf %get3A_708, %mul3A_710 : vector<16xf32>
          %add3A_712 = arith.addf %mul3A_711, %get3A_699 : vector<16xf32>
          %swap3A = arith.index_cast %rem3A_544 : i32 to index
          %swap3A_713 = arith.index_cast %add3A_703 : i32 to index
          %swap3A_714 = arith.index_cast %mul3A_693 : i32 to index
          %swap3A_715 = tpu.vector_load %arg7[%swap3A, %swap3A_713, %swap3A_714] {strides = array<i32>} : memref<6x16x1024xf32, #tpu.memory_space<vmem>>, vector<1x1x16xf32>,
          %swap3A_716 = vector.shape_cast %swap3A_715 : vector<1x1x16xf32> to vector<16xf32>
          %swap3A_717 = vector.shape_cast %add3A_712 : vector<16xf32> to vector<1x1x16xf32>
          tpu.vector_store %arg7[%swap3A, %swap3A_713, %swap3A_714], %swap3A_717 {strides = array<i32>} : memref<6x16x1024xf32, #tpu.memory_space<vmem>>, vector<1x1x16xf32>,
          %mul3A_718 = arith.constant 4 : i32
          %mul3A_719 = arith.muli %scan3A_681, %mul3A_718 : i32
          %add3A_720 = arith.constant 1 : i32
          %add3A_721 = arith.addi %mul3A_719, %add3A_720 : i32
          %get3A_722 = arith.index_cast %rem3A_544 : i32 to index
          %get3A_723 = arith.index_cast %add3A_721 : i32 to index
          %get3A_724 = arith.index_cast %mul3A_693 : i32 to index
          %get3A_725 = tpu.vector_load %arg7[%get3A_722, %get3A_723, %get3A_724] {strides = array<i32>} : memref<6x16x1024xf32, #tpu.memory_space<vmem>>, vector<1x1x16xf32>,
          %get3A_726 = vector.shape_cast %get3A_725 : vector<1x1x16xf32> to vector<16xf32>
          %mul3A_727 = arith.constant 3.200000e+01 : f32
          %mul3A_728 = vector.broadcast %mul3A_727 : f32 to vector<16xf32>
          %mul3A_729 = arith.mulf %get3A_726, %mul3A_728 : vector<16xf32>
          %add3A_730 = arith.addf %mul3A_729, %get3A_699 : vector<16xf32>
          %swap3A_731 = arith.index_cast %rem3A_544 : i32 to index
          %swap3A_732 = arith.index_cast %add3A_721 : i32 to index
          %swap3A_733 = arith.index_cast %mul3A_693 : i32 to index
          %swap3A_734 = tpu.vector_load %arg7[%swap3A_731, %swap3A_732, %swap3A_733] {strides = array<i32>} : memref<6x16x1024xf32, #tpu.memory_space<vmem>>, vector<1x1x16xf32>,
          %swap3A_735 = vector.shape_cast %swap3A_734 : vector<1x1x16xf32> to vector<16xf32>
          %swap3A_736 = vector.shape_cast %add3A_730 : vector<16xf32> to vector<1x1x16xf32>
          tpu.vector_store %arg7[%swap3A_731, %swap3A_732, %swap3A_733], %swap3A_736 {strides = array<i32>} : memref<6x16x1024xf32, #tpu.memory_space<vmem>>, vector<1x1x16xf32>,
          %mul3A_737 = arith.constant 4 : i32
          %mul3A_738 = arith.muli %scan3A_681, %mul3A_737 : i32
          %add3A_739 = arith.constant 2 : i32
          %add3A_740 = arith.addi %mul3A_738, %add3A_739 : i32
          %get3A_741 = arith.index_cast %rem3A_544 : i32 to index
          %get3A_742 = arith.index_cast %add3A_740 : i32 to index
          %get3A_743 = arith.index_cast %mul3A_693 : i32 to index
          %get3A_744 = tpu.vector_load %arg7[%get3A_741, %get3A_742, %get3A_743] {strides = array<i32>} : memref<6x16x1024xf32, #tpu.memory_space<vmem>>, vector<1x1x16xf32>,
          %get3A_745 = vector.shape_cast %get3A_744 : vector<1x1x16xf32> to vector<16xf32>
          %mul3A_746 = arith.constant 3.200000e+01 : f32
          %mul3A_747 = vector.broadcast %mul3A_746 : f32 to vector<16xf32>
          %mul3A_748 = arith.mulf %get3A_745, %mul3A_747 : vector<16xf32>
          %add3A_749 = arith.addf %mul3A_748, %get3A_699 : vector<16xf32>
          %swap3A_750 = arith.index_cast %rem3A_544 : i32 to index
          %swap3A_751 = arith.index_cast %add3A_740 : i32 to index
          %swap3A_752 = arith.index_cast %mul3A_693 : i32 to index
          %swap3A_753 = tpu.vector_load %arg7[%swap3A_750, %swap3A_751, %swap3A_752] {strides = array<i32>} : memref<6x16x1024xf32, #tpu.memory_space<vmem>>, vector<1x1x16xf32>,
          %swap3A_754 = vector.shape_cast %swap3A_753 : vector<1x1x16xf32> to vector<16xf32>
          %swap3A_755 = vector.shape_cast %add3A_749 : vector<16xf32> to vector<1x1x16xf32>
          tpu.vector_store %arg7[%swap3A_750, %swap3A_751, %swap3A_752], %swap3A_755 {strides = array<i32>} : memref<6x16x1024xf32, #tpu.memory_space<vmem>>, vector<1x1x16xf32>,
          %mul3A_756 = arith.constant 4 : i32
          %mul3A_757 = arith.muli %scan3A_681, %mul3A_756 : i32
          %add3A_758 = arith.constant 3 : i32
          %add3A_759 = arith.addi %mul3A_757, %add3A_758 : i32
          %get3A_760 = arith.index_cast %rem3A_544 : i32 to index
          %get3A_761 = arith.index_cast %add3A_759 : i32 to index
          %get3A_762 = arith.index_cast %mul3A_693 : i32 to index
          %get3A_763 = tpu.vector_load %arg7[%get3A_760, %get3A_761, %get3A_762] {strides = array<i32>} : memref<6x16x1024xf32, #tpu.memory_space<vmem>>, vector<1x1x16xf32>,
          %get3A_764 = vector.shape_cast %get3A_763 : vector<1x1x16xf32> to vector<16xf32>
          %mul3A_765 = arith.constant 3.200000e+01 : f32
          %mul3A_766 = vector.broadcast %mul3A_765 : f32 to vector<16xf32>
          %mul3A_767 = arith.mulf %get3A_764, %mul3A_766 : vector<16xf32>
          %add3A_768 = arith.addf %mul3A_767, %get3A_699 : vector<16xf32>
          %swap3A_769 = arith.index_cast %rem3A_544 : i32 to index
          %swap3A_770 = arith.index_cast %add3A_759 : i32 to index
          %swap3A_771 = arith.index_cast %mul3A_693 : i32 to index
          %swap3A_772 = tpu.vector_load %arg7[%swap3A_769, %swap3A_770, %swap3A_771] {strides = array<i32>} : memref<6x16x1024xf32, #tpu.memory_space<vmem>>, vector<1x1x16xf32>,
          %swap3A_773 = vector.shape_cast %swap3A_772 : vector<1x1x16xf32> to vector<16xf32>
          %swap3A_774 = vector.shape_cast %add3A_768 : vector<16xf32> to vector<1x1x16xf32>
          tpu.vector_store %arg7[%swap3A_769, %swap3A_770, %swap3A_771], %swap3A_774 {strides = array<i32>} : memref<6x16x1024xf32, #tpu.memory_space<vmem>>, vector<1x1x16xf32>,
          %mul3A_775 = arith.constant 4 : i32
          %mul3A_776 = arith.muli %scan3A_687, %mul3A_775 : i32
          %add3A_777 = arith.constant 1 : i32
          %add3A_778 = arith.addi %mul3A_776, %add3A_777 : i32
          %mul3A_779 = arith.constant 16 : i32
          %mul3A_780 = arith.muli %add3A_778, %mul3A_779 : i32
          %get3A_781 = arith.constant 0 : i32
          %get3A_782 = arith.index_cast %rem3A_544 : i32 to index
          %get3A_783 = arith.index_cast %scan3A_681 : i32 to index
          %get3A_784 = arith.index_cast %get3A_781 : i32 to index
          %get3A_785 = arith.index_cast %mul3A_780 : i32 to index
          %get3A_786 = tpu.vector_load %arg8[%get3A_782, %get3A_783, %get3A_784, %get3A_785] {strides = array<i32>} : memref<6x4x1x1024xf32, #tpu.memory_space<vmem>>, vector<1x1x1x16xf32>,
          %get3A_787 = vector.shape_cast %get3A_786 : vector<1x1x1x16xf32> to vector<16xf32>
          %mul3A_788 = arith.constant 4 : i32
          %mul3A_789 = arith.muli %scan3A_681, %mul3A_788 : i32
          %add3A_790 = arith.constant 0 : i32
          %add3A_791 = arith.addi %mul3A_789, %add3A_790 : i32
          %get3A_792 = arith.index_cast %rem3A_544 : i32 to index
          %get3A_793 = arith.index_cast %add3A_791 : i32 to index
          %get3A_794 = arith.index_cast %mul3A_780 : i32 to index
          %get3A_795 = tpu.vector_load %arg7[%get3A_792, %get3A_793, %get3A_794] {strides = array<i32>} : memref<6x16x1024xf32, #tpu.memory_space<vmem>>, vector<1x1x16xf32>,
          %get3A_796 = vector.shape_cast %get3A_795 : vector<1x1x16xf32> to vector<16xf32>
          %mul3A_797 = arith.constant 3.200000e+01 : f32
          %mul3A_798 = vector.broadcast %mul3A_797 : f32 to vector<16xf32>
          %mul3A_799 = arith.mulf %get3A_796, %mul3A_798 : vector<16xf32>
          %add3A_800 = arith.addf %mul3A_799, %get3A_787 : vector<16xf32>
          %swap3A_801 = arith.index_cast %rem3A_544 : i32 to index
          %swap3A_802 = arith.index_cast %add3A_791 : i32 to index
          %swap3A_803 = arith.index_cast %mul3A_780 : i32 to index
          %swap3A_804 = tpu.vector_load %arg7[%swap3A_801, %swap3A_802, %swap3A_803] {strides = array<i32>} : memref<6x16x1024xf32, #tpu.memory_space<vmem>>, vector<1x1x16xf32>,
          %swap3A_805 = vector.shape_cast %swap3A_804 : vector<1x1x16xf32> to vector<16xf32>
          %swap3A_806 = vector.shape_cast %add3A_800 : vector<16xf32> to vector<1x1x16xf32>
          tpu.vector_store %arg7[%swap3A_801, %swap3A_802, %swap3A_803], %swap3A_806 {strides = array<i32>} : memref<6x16x1024xf32, #tpu.memory_space<vmem>>, vector<1x1x16xf32>,
          %mul3A_807 = arith.constant 4 : i32
          %mul3A_808 = arith.muli %scan3A_681, %mul3A_807 : i32
          %add3A_809 = arith.constant 1 : i32
          %add3A_810 = arith.addi %mul3A_808, %add3A_809 : i32
          %get3A_811 = arith.index_cast %rem3A_544 : i32 to index
          %get3A_812 = arith.index_cast %add3A_810 : i32 to index
          %get3A_813 = arith.index_cast %mul3A_780 : i32 to index
          %get3A_814 = tpu.vector_load %arg7[%get3A_811, %get3A_812, %get3A_813] {strides = array<i32>} : memref<6x16x1024xf32, #tpu.memory_space<vmem>>, vector<1x1x16xf32>,
          %get3A_815 = vector.shape_cast %get3A_814 : vector<1x1x16xf32> to vector<16xf32>
          %mul3A_816 = arith.constant 3.200000e+01 : f32
          %mul3A_817 = vector.broadcast %mul3A_816 : f32 to vector<16xf32>
          %mul3A_818 = arith.mulf %get3A_815, %mul3A_817 : vector<16xf32>
          %add3A_819 = arith.addf %mul3A_818, %get3A_787 : vector<16xf32>
          %swap3A_820 = arith.index_cast %rem3A_544 : i32 to index
          %swap3A_821 = arith.index_cast %add3A_810 : i32 to index
          %swap3A_822 = arith.index_cast %mul3A_780 : i32 to index
          %swap3A_823 = tpu.vector_load %arg7[%swap3A_820, %swap3A_821, %swap3A_822] {strides = array<i32>} : memref<6x16x1024xf32, #tpu.memory_space<vmem>>, vector<1x1x16xf32>,
          %swap3A_824 = vector.shape_cast %swap3A_823 : vector<1x1x16xf32> to vector<16xf32>
          %swap3A_825 = vector.shape_cast %add3A_819 : vector<16xf32> to vector<1x1x16xf32>
          tpu.vector_store %arg7[%swap3A_820, %swap3A_821, %swap3A_822], %swap3A_825 {strides = array<i32>} : memref<6x16x1024xf32, #tpu.memory_space<vmem>>, vector<1x1x16xf32>,
          %mul3A_826 = arith.constant 4 : i32
          %mul3A_827 = arith.muli %scan3A_681, %mul3A_826 : i32
          %add3A_828 = arith.constant 2 : i32
          %add3A_829 = arith.addi %mul3A_827, %add3A_828 : i32
          %get3A_830 = arith.index_cast %rem3A_544 : i32 to index
          %get3A_831 = arith.index_cast %add3A_829 : i32 to index
          %get3A_832 = arith.index_cast %mul3A_780 : i32 to index
          %get3A_833 = tpu.vector_load %arg7[%get3A_830, %get3A_831, %get3A_832] {strides = array<i32>} : memref<6x16x1024xf32, #tpu.memory_space<vmem>>, vector<1x1x16xf32>,
          %get3A_834 = vector.shape_cast %get3A_833 : vector<1x1x16xf32> to vector<16xf32>
          %mul3A_835 = arith.constant 3.200000e+01 : f32
          %mul3A_836 = vector.broadcast %mul3A_835 : f32 to vector<16xf32>
          %mul3A_837 = arith.mulf %get3A_834, %mul3A_836 : vector<16xf32>
          %add3A_838 = arith.addf %mul3A_837, %get3A_787 : vector<16xf32>
          %swap3A_839 = arith.index_cast %rem3A_544 : i32 to index
          %swap3A_840 = arith.index_cast %add3A_829 : i32 to index
          %swap3A_841 = arith.index_cast %mul3A_780 : i32 to index
          %swap3A_842 = tpu.vector_load %arg7[%swap3A_839, %swap3A_840, %swap3A_841] {strides = array<i32>} : memref<6x16x1024xf32, #tpu.memory_space<vmem>>, vector<1x1x16xf32>,
          %swap3A_843 = vector.shape_cast %swap3A_842 : vector<1x1x16xf32> to vector<16xf32>
          %swap3A_844 = vector.shape_cast %add3A_838 : vector<16xf32> to vector<1x1x16xf32>
          tpu.vector_store %arg7[%swap3A_839, %swap3A_840, %swap3A_841], %swap3A_844 {strides = array<i32>} : memref<6x16x1024xf32, #tpu.memory_space<vmem>>, vector<1x1x16xf32>,
          %mul3A_845 = arith.constant 4 : i32
          %mul3A_846 = arith.muli %scan3A_681, %mul3A_845 : i32
          %add3A_847 = arith.constant 3 : i32
          %add3A_848 = arith.addi %mul3A_846, %add3A_847 : i32
          %get3A_849 = arith.index_cast %rem3A_544 : i32 to index
          %get3A_850 = arith.index_cast %add3A_848 : i32 to index
          %get3A_851 = arith.index_cast %mul3A_780 : i32 to index
          %get3A_852 = tpu.vector_load %arg7[%get3A_849, %get3A_850, %get3A_851] {strides = array<i32>} : memref<6x16x1024xf32, #tpu.memory_space<vmem>>, vector<1x1x16xf32>,
          %get3A_853 = vector.shape_cast %get3A_852 : vector<1x1x16xf32> to vector<16xf32>
          %mul3A_854 = arith.constant 3.200000e+01 : f32
          %mul3A_855 = vector.broadcast %mul3A_854 : f32 to vector<16xf32>
          %mul3A_856 = arith.mulf %get3A_853, %mul3A_855 : vector<16xf32>
          %add3A_857 = arith.addf %mul3A_856, %get3A_787 : vector<16xf32>
          %swap3A_858 = arith.index_cast %rem3A_544 : i32 to index
          %swap3A_859 = arith.index_cast %add3A_848 : i32 to index
          %swap3A_860 = arith.index_cast %mul3A_780 : i32 to index
          %swap3A_861 = tpu.vector_load %arg7[%swap3A_858, %swap3A_859, %swap3A_860] {strides = array<i32>} : memref<6x16x1024xf32, #tpu.memory_space<vmem>>, vector<1x1x16xf32>,
          %swap3A_862 = vector.shape_cast %swap3A_861 : vector<1x1x16xf32> to vector<16xf32>
          %swap3A_863 = vector.shape_cast %add3A_857 : vector<16xf32> to vector<1x1x16xf32>
          tpu.vector_store %arg7[%swap3A_858, %swap3A_859, %swap3A_860], %swap3A_863 {strides = array<i32>} : memref<6x16x1024xf32, #tpu.memory_space<vmem>>, vector<1x1x16xf32>,
          %mul3A_864 = arith.constant 4 : i32
          %mul3A_865 = arith.muli %scan3A_687, %mul3A_864 : i32
          %add3A_866 = arith.constant 2 : i32
          %add3A_867 = arith.addi %mul3A_865, %add3A_866 : i32
          %mul3A_868 = arith.constant 16 : i32
          %mul3A_869 = arith.muli %add3A_867, %mul3A_868 : i32
          %get3A_870 = arith.constant 0 : i32
          %get3A_871 = arith.index_cast %rem3A_544 : i32 to index
          %get3A_872 = arith.index_cast %scan3A_681 : i32 to index
          %get3A_873 = arith.index_cast %get3A_870 : i32 to index
          %get3A_874 = arith.index_cast %mul3A_869 : i32 to index
          %get3A_875 = tpu.vector_load %arg8[%get3A_871, %get3A_872, %get3A_873, %get3A_874] {strides = array<i32>} : memref<6x4x1x1024xf32, #tpu.memory_space<vmem>>, vector<1x1x1x16xf32>,
          %get3A_876 = vector.shape_cast %get3A_875 : vector<1x1x1x16xf32> to vector<16xf32>
          %mul3A_877 = arith.constant 4 : i32
          %mul3A_878 = arith.muli %scan3A_681, %mul3A_877 : i32
          %add3A_879 = arith.constant 0 : i32
          %add3A_880 = arith.addi %mul3A_878, %add3A_879 : i32
          %get3A_881 = arith.index_cast %rem3A_544 : i32 to index
          %get3A_882 = arith.index_cast %add3A_880 : i32 to index
          %get3A_883 = arith.index_cast %mul3A_869 : i32 to index
          %get3A_884 = tpu.vector_load %arg7[%get3A_881, %get3A_882, %get3A_883] {strides = array<i32>} : memref<6x16x1024xf32, #tpu.memory_space<vmem>>, vector<1x1x16xf32>,
          %get3A_885 = vector.shape_cast %get3A_884 : vector<1x1x16xf32> to vector<16xf32>
          %mul3A_886 = arith.constant 3.200000e+01 : f32
          %mul3A_887 = vector.broadcast %mul3A_886 : f32 to vector<16xf32>
          %mul3A_888 = arith.mulf %get3A_885, %mul3A_887 : vector<16xf32>
          %add3A_889 = arith.addf %mul3A_888, %get3A_876 : vector<16xf32>
          %swap3A_890 = arith.index_cast %rem3A_544 : i32 to index
          %swap3A_891 = arith.index_cast %add3A_880 : i32 to index
          %swap3A_892 = arith.index_cast %mul3A_869 : i32 to index
          %swap3A_893 = tpu.vector_load %arg7[%swap3A_890, %swap3A_891, %swap3A_892] {strides = array<i32>} : memref<6x16x1024xf32, #tpu.memory_space<vmem>>, vector<1x1x16xf32>,
          %swap3A_894 = vector.shape_cast %swap3A_893 : vector<1x1x16xf32> to vector<16xf32>
          %swap3A_895 = vector.shape_cast %add3A_889 : vector<16xf32> to vector<1x1x16xf32>
          tpu.vector_store %arg7[%swap3A_890, %swap3A_891, %swap3A_892], %swap3A_895 {strides = array<i32>} : memref<6x16x1024xf32, #tpu.memory_space<vmem>>, vector<1x1x16xf32>,
          %mul3A_896 = arith.constant 4 : i32
          %mul3A_897 = arith.muli %scan3A_681, %mul3A_896 : i32
          %add3A_898 = arith.constant 1 : i32
          %add3A_899 = arith.addi %mul3A_897, %add3A_898 : i32
          %get3A_900 = arith.index_cast %rem3A_544 : i32 to index
          %get3A_901 = arith.index_cast %add3A_899 : i32 to index
          %get3A_902 = arith.index_cast %mul3A_869 : i32 to index
          %get3A_903 = tpu.vector_load %arg7[%get3A_900, %get3A_901, %get3A_902] {strides = array<i32>} : memref<6x16x1024xf32, #tpu.memory_space<vmem>>, vector<1x1x16xf32>,
          %get3A_904 = vector.shape_cast %get3A_903 : vector<1x1x16xf32> to vector<16xf32>
          %mul3A_905 = arith.constant 3.200000e+01 : f32
          %mul3A_906 = vector.broadcast %mul3A_905 : f32 to vector<16xf32>
          %mul3A_907 = arith.mulf %get3A_904, %mul3A_906 : vector<16xf32>
          %add3A_908 = arith.addf %mul3A_907, %get3A_876 : vector<16xf32>
          %swap3A_909 = arith.index_cast %rem3A_544 : i32 to index
          %swap3A_910 = arith.index_cast %add3A_899 : i32 to index
          %swap3A_911 = arith.index_cast %mul3A_869 : i32 to index
          %swap3A_912 = tpu.vector_load %arg7[%swap3A_909, %swap3A_910, %swap3A_911] {strides = array<i32>} : memref<6x16x1024xf32, #tpu.memory_space<vmem>>, vector<1x1x16xf32>,
          %swap3A_913 = vector.shape_cast %swap3A_912 : vector<1x1x16xf32> to vector<16xf32>
          %swap3A_914 = vector.shape_cast %add3A_908 : vector<16xf32> to vector<1x1x16xf32>
          tpu.vector_store %arg7[%swap3A_909, %swap3A_910, %swap3A_911], %swap3A_914 {strides = array<i32>} : memref<6x16x1024xf32, #tpu.memory_space<vmem>>, vector<1x1x16xf32>,
          %mul3A_915 = arith.constant 4 : i32
          %mul3A_916 = arith.muli %scan3A_681, %mul3A_915 : i32
          %add3A_917 = arith.constant 2 : i32
          %add3A_918 = arith.addi %mul3A_916, %add3A_917 : i32
          %get3A_919 = arith.index_cast %rem3A_544 : i32 to index
          %get3A_920 = arith.index_cast %add3A_918 : i32 to index
          %get3A_921 = arith.index_cast %mul3A_869 : i32 to index
          %get3A_922 = tpu.vector_load %arg7[%get3A_919, %get3A_920, %get3A_921] {strides = array<i32>} : memref<6x16x1024xf32, #tpu.memory_space<vmem>>, vector<1x1x16xf32>,
          %get3A_923 = vector.shape_cast %get3A_922 : vector<1x1x16xf32> to vector<16xf32>
          %mul3A_924 = arith.constant 3.200000e+01 : f32
          %mul3A_925 = vector.broadcast %mul3A_924 : f32 to vector<16xf32>
          %mul3A_926 = arith.mulf %get3A_923, %mul3A_925 : vector<16xf32>
          %add3A_927 = arith.addf %mul3A_926, %get3A_876 : vector<16xf32>
          %swap3A_928 = arith.index_cast %rem3A_544 : i32 to index
          %swap3A_929 = arith.index_cast %add3A_918 : i32 to index
          %swap3A_930 = arith.index_cast %mul3A_869 : i32 to index
          %swap3A_931 = tpu.vector_load %arg7[%swap3A_928, %swap3A_929, %swap3A_930] {strides = array<i32>} : memref<6x16x1024xf32, #tpu.memory_space<vmem>>, vector<1x1x16xf32>,
          %swap3A_932 = vector.shape_cast %swap3A_931 : vector<1x1x16xf32> to vector<16xf32>
          %swap3A_933 = vector.shape_cast %add3A_927 : vector<16xf32> to vector<1x1x16xf32>
          tpu.vector_store %arg7[%swap3A_928, %swap3A_929, %swap3A_930], %swap3A_933 {strides = array<i32>} : memref<6x16x1024xf32, #tpu.memory_space<vmem>>, vector<1x1x16xf32>,
          %mul3A_934 = arith.constant 4 : i32
          %mul3A_935 = arith.muli %scan3A_681, %mul3A_934 : i32
          %add3A_936 = arith.constant 3 : i32
          %add3A_937 = arith.addi %mul3A_935, %add3A_936 : i32
          %get3A_938 = arith.index_cast %rem3A_544 : i32 to index
          %get3A_939 = arith.index_cast %add3A_937 : i32 to index
          %get3A_940 = arith.index_cast %mul3A_869 : i32 to index
          %get3A_941 = tpu.vector_load %arg7[%get3A_938, %get3A_939, %get3A_940] {strides = array<i32>} : memref<6x16x1024xf32, #tpu.memory_space<vmem>>, vector<1x1x16xf32>,
          %get3A_942 = vector.shape_cast %get3A_941 : vector<1x1x16xf32> to vector<16xf32>
          %mul3A_943 = arith.constant 3.200000e+01 : f32
          %mul3A_944 = vector.broadcast %mul3A_943 : f32 to vector<16xf32>
          %mul3A_945 = arith.mulf %get3A_942, %mul3A_944 : vector<16xf32>
          %add3A_946 = arith.addf %mul3A_945, %get3A_876 : vector<16xf32>
          %swap3A_947 = arith.index_cast %rem3A_544 : i32 to index
          %swap3A_948 = arith.index_cast %add3A_937 : i32 to index
          %swap3A_949 = arith.index_cast %mul3A_869 : i32 to index
          %swap3A_950 = tpu.vector_load %arg7[%swap3A_947, %swap3A_948, %swap3A_949] {strides = array<i32>} : memref<6x16x1024xf32, #tpu.memory_space<vmem>>, vector<1x1x16xf32>,
          %swap3A_951 = vector.shape_cast %swap3A_950 : vector<1x1x16xf32> to vector<16xf32>
          %swap3A_952 = vector.shape_cast %add3A_946 : vector<16xf32> to vector<1x1x16xf32>
          tpu.vector_store %arg7[%swap3A_947, %swap3A_948, %swap3A_949], %swap3A_952 {strides = array<i32>} : memref<6x16x1024xf32, #tpu.memory_space<vmem>>, vector<1x1x16xf32>,
          %mul3A_953 = arith.constant 4 : i32
          %mul3A_954 = arith.muli %scan3A_687, %mul3A_953 : i32
          %add3A_955 = arith.constant 3 : i32
          %add3A_956 = arith.addi %mul3A_954, %add3A_955 : i32
          %mul3A_957 = arith.constant 16 : i32
          %mul3A_958 = arith.muli %add3A_956, %mul3A_957 : i32
          %get3A_959 = arith.constant 0 : i32
          %get3A_960 = arith.index_cast %rem3A_544 : i32 to index
          %get3A_961 = arith.index_cast %scan3A_681 : i32 to index
          %get3A_962 = arith.index_cast %get3A_959 : i32 to index
          %get3A_963 = arith.index_cast %mul3A_958 : i32 to index
          %get3A_964 = tpu.vector_load %arg8[%get3A_960, %get3A_961, %get3A_962, %get3A_963] {strides = array<i32>} : memref<6x4x1x1024xf32, #tpu.memory_space<vmem>>, vector<1x1x1x16xf32>,
          %get3A_965 = vector.shape_cast %get3A_964 : vector<1x1x1x16xf32> to vector<16xf32>
          %mul3A_966 = arith.constant 4 : i32
          %mul3A_967 = arith.muli %scan3A_681, %mul3A_966 : i32
          %add3A_968 = arith.constant 0 : i32
          %add3A_969 = arith.addi %mul3A_967, %add3A_968 : i32
          %get3A_970 = arith.index_cast %rem3A_544 : i32 to index
          %get3A_971 = arith.index_cast %add3A_969 : i32 to index
          %get3A_972 = arith.index_cast %mul3A_958 : i32 to index
          %get3A_973 = tpu.vector_load %arg7[%get3A_970, %get3A_971, %get3A_972] {strides = array<i32>} : memref<6x16x1024xf32, #tpu.memory_space<vmem>>, vector<1x1x16xf32>,
          %get3A_974 = vector.shape_cast %get3A_973 : vector<1x1x16xf32> to vector<16xf32>
          %mul3A_975 = arith.constant 3.200000e+01 : f32
          %mul3A_976 = vector.broadcast %mul3A_975 : f32 to vector<16xf32>
          %mul3A_977 = arith.mulf %get3A_974, %mul3A_976 : vector<16xf32>
          %add3A_978 = arith.addf %mul3A_977, %get3A_965 : vector<16xf32>
          %swap3A_979 = arith.index_cast %rem3A_544 : i32 to index
          %swap3A_980 = arith.index_cast %add3A_969 : i32 to index
          %swap3A_981 = arith.index_cast %mul3A_958 : i32 to index
          %swap3A_982 = tpu.vector_load %arg7[%swap3A_979, %swap3A_980, %swap3A_981] {strides = array<i32>} : memref<6x16x1024xf32, #tpu.memory_space<vmem>>, vector<1x1x16xf32>,
          %swap3A_983 = vector.shape_cast %swap3A_982 : vector<1x1x16xf32> to vector<16xf32>
          %swap3A_984 = vector.shape_cast %add3A_978 : vector<16xf32> to vector<1x1x16xf32>
          tpu.vector_store %arg7[%swap3A_979, %swap3A_980, %swap3A_981], %swap3A_984 {strides = array<i32>} : memref<6x16x1024xf32, #tpu.memory_space<vmem>>, vector<1x1x16xf32>,
          %mul3A_985 = arith.constant 4 : i32
          %mul3A_986 = arith.muli %scan3A_681, %mul3A_985 : i32
          %add3A_987 = arith.constant 1 : i32
          %add3A_988 = arith.addi %mul3A_986, %add3A_987 : i32
          %get3A_989 = arith.index_cast %rem3A_544 : i32 to index
          %get3A_990 = arith.index_cast %add3A_988 : i32 to index
          %get3A_991 = arith.index_cast %mul3A_958 : i32 to index
          %get3A_992 = tpu.vector_load %arg7[%get3A_989, %get3A_990, %get3A_991] {strides = array<i32>} : memref<6x16x1024xf32, #tpu.memory_space<vmem>>, vector<1x1x16xf32>,
          %get3A_993 = vector.shape_cast %get3A_992 : vector<1x1x16xf32> to vector<16xf32>
          %mul3A_994 = arith.constant 3.200000e+01 : f32
          %mul3A_995 = vector.broadcast %mul3A_994 : f32 to vector<16xf32>
          %mul3A_996 = arith.mulf %get3A_993, %mul3A_995 : vector<16xf32>
          %add3A_997 = arith.addf %mul3A_996, %get3A_965 : vector<16xf32>
          %swap3A_998 = arith.index_cast %rem3A_544 : i32 to index
          %swap3A_999 = arith.index_cast %add3A_988 : i32 to index
          %swap3A_1000 = arith.index_cast %mul3A_958 : i32 to index
          %swap3A_1001 = tpu.vector_load %arg7[%swap3A_998, %swap3A_999, %swap3A_1000] {strides = array<i32>} : memref<6x16x1024xf32, #tpu.memory_space<vmem>>, vector<1x1x16xf32>,
          %swap3A_1002 = vector.shape_cast %swap3A_1001 : vector<1x1x16xf32> to vector<16xf32>
          %swap3A_1003 = vector.shape_cast %add3A_997 : vector<16xf32> to vector<1x1x16xf32>
          tpu.vector_store %arg7[%swap3A_998, %swap3A_999, %swap3A_1000], %swap3A_1003 {strides = array<i32>} : memref<6x16x1024xf32, #tpu.memory_space<vmem>>, vector<1x1x16xf32>,
          %mul3A_1004 = arith.constant 4 : i32
          %mul3A_1005 = arith.muli %scan3A_681, %mul3A_1004 : i32
          %add3A_1006 = arith.constant 2 : i32
          %add3A_1007 = arith.addi %mul3A_1005, %add3A_1006 : i32
          %get3A_1008 = arith.index_cast %rem3A_544 : i32 to index
          %get3A_1009 = arith.index_cast %add3A_1007 : i32 to index
          %get3A_1010 = arith.index_cast %mul3A_958 : i32 to index
          %get3A_1011 = tpu.vector_load %arg7[%get3A_1008, %get3A_1009, %get3A_1010] {strides = array<i32>} : memref<6x16x1024xf32, #tpu.memory_space<vmem>>, vector<1x1x16xf32>,
          %get3A_1012 = vector.shape_cast %get3A_1011 : vector<1x1x16xf32> to vector<16xf32>
          %mul3A_1013 = arith.constant 3.200000e+01 : f32
          %mul3A_1014 = vector.broadcast %mul3A_1013 : f32 to vector<16xf32>
          %mul3A_1015 = arith.mulf %get3A_1012, %mul3A_1014 : vector<16xf32>
          %add3A_1016 = arith.addf %mul3A_1015, %get3A_965 : vector<16xf32>
          %swap3A_1017 = arith.index_cast %rem3A_544 : i32 to index
          %swap3A_1018 = arith.index_cast %add3A_1007 : i32 to index
          %swap3A_1019 = arith.index_cast %mul3A_958 : i32 to index
          %swap3A_1020 = tpu.vector_load %arg7[%swap3A_1017, %swap3A_1018, %swap3A_1019] {strides = array<i32>} : memref<6x16x1024xf32, #tpu.memory_space<vmem>>, vector<1x1x16xf32>,
          %swap3A_1021 = vector.shape_cast %swap3A_1020 : vector<1x1x16xf32> to vector<16xf32>
          %swap3A_1022 = vector.shape_cast %add3A_1016 : vector<16xf32> to vector<1x1x16xf32>
          tpu.vector_store %arg7[%swap3A_1017, %swap3A_1018, %swap3A_1019], %swap3A_1022 {strides = array<i32>} : memref<6x16x1024xf32, #tpu.memory_space<vmem>>, vector<1x1x16xf32>,
          %mul3A_1023 = arith.constant 4 : i32
          %mul3A_1024 = arith.muli %scan3A_681, %mul3A_1023 : i32
          %add3A_1025 = arith.constant 3 : i32
          %add3A_1026 = arith.addi %mul3A_1024, %add3A_1025 : i32
          %get3A_1027 = arith.index_cast %rem3A_544 : i32 to index
          %get3A_1028 = arith.index_cast %add3A_1026 : i32 to index
          %get3A_1029 = arith.index_cast %mul3A_958 : i32 to index
          %get3A_1030 = tpu.vector_load %arg7[%get3A_1027, %get3A_1028, %get3A_1029] {strides = array<i32>} : memref<6x16x1024xf32, #tpu.memory_space<vmem>>, vector<1x1x16xf32>,
          %get3A_1031 = vector.shape_cast %get3A_1030 : vector<1x1x16xf32> to vector<16xf32>
          %mul3A_1032 = arith.constant 3.200000e+01 : f32
          %mul3A_1033 = vector.broadcast %mul3A_1032 : f32 to vector<16xf32>
          %mul3A_1034 = arith.mulf %get3A_1031, %mul3A_1033 : vector<16xf32>
          %add3A_1035 = arith.addf %mul3A_1034, %get3A_965 : vector<16xf32>
          %swap3A_1036 = arith.index_cast %rem3A_544 : i32 to index
          %swap3A_1037 = arith.index_cast %add3A_1026 : i32 to index
          %swap3A_1038 = arith.index_cast %mul3A_958 : i32 to index
          %swap3A_1039 = tpu.vector_load %arg7[%swap3A_1036, %swap3A_1037, %swap3A_1038] {strides = array<i32>} : memref<6x16x1024xf32, #tpu.memory_space<vmem>>, vector<1x1x16xf32>,
          %swap3A_1040 = vector.shape_cast %swap3A_1039 : vector<1x1x16xf32> to vector<16xf32>
          %swap3A_1041 = vector.shape_cast %add3A_1035 : vector<16xf32> to vector<1x1x16xf32>
          tpu.vector_store %arg7[%swap3A_1036, %swap3A_1037, %swap3A_1038], %swap3A_1041 {strides = array<i32>} : memref<6x16x1024xf32, #tpu.memory_space<vmem>>, vector<1x1x16xf32>,
        }
        %scan3A_686 = arith.constant 16 : i32
      }
      %scan3A_581 = arith.constant 4 : i32
      %mul3A_582 = arith.constant 16 : i32
      %mul3A_583 = arith.muli %scan3A_542, %mul3A_582 : i32
      %add3A_584 = arith.addi %mul3A_2, %mul3A_583 : i32
      %jit3A_585 = arith.constant 4 : i32
      %div3A_586 = arith.divsi %add3A_584, %jit3A_585 : i32
      %sign3A_587 = arith.constant 0 : i32
      %sign3A_588 = arith.cmpi sgt, %add3A_584, %sign3A_587 : i32
      %sign3A_589 = arith.extui %sign3A_588 : i1 to i32
      %sign3A_590 = arith.constant 0 : i32
      %sign3A_591 = arith.cmpi slt, %add3A_584, %sign3A_590 : i32
      %sign3A_592 = arith.extui %sign3A_591 : i1 to i32
      %sign3A_593 = arith.subi %sign3A_589, %sign3A_592 : i32
      %sign3A_594 = arith.constant 0 : i32
      %sign3A_595 = arith.cmpi sgt, %jit3A_585, %sign3A_594 : i32
      %sign3A_596 = arith.extui %sign3A_595 : i1 to i32
      %sign3A_597 = arith.constant 0 : i32
      %sign3A_598 = arith.cmpi slt, %jit3A_585, %sign3A_597 : i32
      %sign3A_599 = arith.extui %sign3A_598 : i1 to i32
      %sign3A_600 = arith.subi %sign3A_596, %sign3A_599 : i32
      %ne3A_601 = arith.cmpi ne, %sign3A_593, %sign3A_600 : i32
      %rem3A_602 = arith.remsi %add3A_584, %jit3A_585 : i32
      %ne3A_603 = arith.constant 0 : i32
      %ne3A_604 = arith.cmpi ne, %rem3A_602, %ne3A_603 : i32
      %and3A_605 = arith.andi %ne3A_601, %ne3A_604 : i1
      %sub3A_606 = arith.constant 1 : i32
      %sub3A_607 = arith.subi %div3A_586, %sub3A_606 : i32
      %select_n3A_608 = arith.select %and3A_605, %sub3A_607, %div3A_586 : i32
      %add3A_609 = arith.constant 0 : i32
      %add3A_610 = arith.addi %select_n3A_608, %add3A_609 : i32
      %dma_start3A_611 = arith.constant 0 : i32
      %dma_start3A_612 = arith.constant 0 : i32
      %dma_start3A_613 = tpu.memref_slice %arg7[%rem3A_544, %dma_start3A_611, %dma_start3A_612] : memref<6x16x1024xf32, #tpu.memory_space<vmem>> -> memref<1x4x1024xf32, #tpu.memory_space<vmem>>
      %dma_start3A_614 = tpu.memref_squeeze %dma_start3A_613 : memref<1x4x1024xf32, #tpu.memory_space<vmem>> -> memref<4x1024xf32, #tpu.memory_space<vmem>>
      %dma_start3A_615 = arith.constant 0 : i32
      %dma_start3A_616 = arith.constant 0 : i32
      %dma_start3A_617 = tpu.memref_slice %arg5[%add3A_610, %dma_start3A_615, %dma_start3A_616] : memref<2048x4x1024xf32, #tpu.memory_space<hbm>> -> memref<1x4x1024xf32, #tpu.memory_space<hbm>>
      %dma_start3A_618 = tpu.memref_squeeze %dma_start3A_617 : memref<1x4x1024xf32, #tpu.memory_space<hbm>> -> memref<4x1024xf32, #tpu.memory_space<hbm>>
      %dma_start3A_619 = arith.constant 0 : i32
      %dma_start3A_620 = arith.constant 0 : i32
      %dma_start3A_621 = tpu.memref_slice %arg5[%add3A_610, %dma_start3A_619, %dma_start3A_620] : memref<2048x4x1024xf32, #tpu.memory_space<hbm>> -> memref<1x4x1024xf32, #tpu.memory_space<hbm>>
      %dma_start3A_622 = tpu.memref_squeeze %dma_start3A_621 : memref<1x4x1024xf32, #tpu.memory_space<hbm>> -> memref<4x1024xf32, #tpu.memory_space<hbm>>
      %dma_start3A_623 = arith.constant 0 : i32
      %dma_start3A_624 = arith.constant 0 : i32
      %dma_start3A_625 = tpu.memref_slice %arg7[%rem3A_544, %dma_start3A_623, %dma_start3A_624] : memref<6x16x1024xf32, #tpu.memory_space<vmem>> -> memref<1x4x1024xf32, #tpu.memory_space<vmem>>
      %dma_start3A_626 = tpu.memref_squeeze %dma_start3A_625 : memref<1x4x1024xf32, #tpu.memory_space<vmem>> -> memref<4x1024xf32, #tpu.memory_space<vmem>>
      tpu.enqueue_dma source(%dma_start3A_626 : memref<4x1024xf32, #tpu.memory_space<vmem>>) target(%dma_start3A_622 : memref<4x1024xf32, #tpu.memory_space<hbm>>) target_semaphore(%arg11 : memref<!tpu.dma_semaphore, #tpu.memory_space<semaphore_mem>>)
      %add3A_627 = arith.constant 1 : i32
      %add3A_628 = arith.addi %select_n3A_608, %add3A_627 : i32
      %dma_start3A_629 = arith.constant 4 : i32
      %dma_start3A_630 = arith.constant 0 : i32
      %dma_start3A_631 = tpu.memref_slice %arg7[%rem3A_544, %dma_start3A_629, %dma_start3A_630] : memref<6x16x1024xf32, #tpu.memory_space<vmem>> -> memref<1x4x1024xf32, #tpu.memory_space<vmem>>
      %dma_start3A_632 = tpu.memref_squeeze %dma_start3A_631 : memref<1x4x1024xf32, #tpu.memory_space<vmem>> -> memref<4x1024xf32, #tpu.memory_space<vmem>>
      %dma_start3A_633 = arith.constant 0 : i32
      %dma_start3A_634 = arith.constant 0 : i32
      %dma_start3A_635 = tpu.memref_slice %arg5[%add3A_628, %dma_start3A_633, %dma_start3A_634] : memref<2048x4x1024xf32, #tpu.memory_space<hbm>> -> memref<1x4x1024xf32, #tpu.memory_space<hbm>>
      %dma_start3A_636 = tpu.memref_squeeze %dma_start3A_635 : memref<1x4x1024xf32, #tpu.memory_space<hbm>> -> memref<4x1024xf32, #tpu.memory_space<hbm>>
      %dma_start3A_637 = arith.constant 0 : i32
      %dma_start3A_638 = arith.constant 0 : i32
      %dma_start3A_639 = tpu.memref_slice %arg5[%add3A_628, %dma_start3A_637, %dma_start3A_638] : memref<2048x4x1024xf32, #tpu.memory_space<hbm>> -> memref<1x4x1024xf32, #tpu.memory_space<hbm>>
      %dma_start3A_640 = tpu.memref_squeeze %dma_start3A_639 : memref<1x4x1024xf32, #tpu.memory_space<hbm>> -> memref<4x1024xf32, #tpu.memory_space<hbm>>
      %dma_start3A_641 = arith.constant 4 : i32
      %dma_start3A_642 = arith.constant 0 : i32
      %dma_start3A_643 = tpu.memref_slice %arg7[%rem3A_544, %dma_start3A_641, %dma_start3A_642] : memref<6x16x1024xf32, #tpu.memory_space<vmem>> -> memref<1x4x1024xf32, #tpu.memory_space<vmem>>
      %dma_start3A_644 = tpu.memref_squeeze %dma_start3A_643 : memref<1x4x1024xf32, #tpu.memory_space<vmem>> -> memref<4x1024xf32, #tpu.memory_space<vmem>>
      tpu.enqueue_dma source(%dma_start3A_644 : memref<4x1024xf32, #tpu.memory_space<vmem>>) target(%dma_start3A_640 : memref<4x1024xf32, #tpu.memory_space<hbm>>) target_semaphore(%arg11 : memref<!tpu.dma_semaphore, #tpu.memory_space<semaphore_mem>>)
      %add3A_645 = arith.constant 2 : i32
      %add3A_646 = arith.addi %select_n3A_608, %add3A_645 : i32
      %dma_start3A_647 = arith.constant 8 : i32
      %dma_start3A_648 = arith.constant 0 : i32
      %dma_start3A_649 = tpu.memref_slice %arg7[%rem3A_544, %dma_start3A_647, %dma_start3A_648] : memref<6x16x1024xf32, #tpu.memory_space<vmem>> -> memref<1x4x1024xf32, #tpu.memory_space<vmem>>
      %dma_start3A_650 = tpu.memref_squeeze %dma_start3A_649 : memref<1x4x1024xf32, #tpu.memory_space<vmem>> -> memref<4x1024xf32, #tpu.memory_space<vmem>>
      %dma_start3A_651 = arith.constant 0 : i32
      %dma_start3A_652 = arith.constant 0 : i32
      %dma_start3A_653 = tpu.memref_slice %arg5[%add3A_646, %dma_start3A_651, %dma_start3A_652] : memref<2048x4x1024xf32, #tpu.memory_space<hbm>> -> memref<1x4x1024xf32, #tpu.memory_space<hbm>>
      %dma_start3A_654 = tpu.memref_squeeze %dma_start3A_653 : memref<1x4x1024xf32, #tpu.memory_space<hbm>> -> memref<4x1024xf32, #tpu.memory_space<hbm>>
      %dma_start3A_655 = arith.constant 0 : i32
      %dma_start3A_656 = arith.constant 0 : i32
      %dma_start3A_657 = tpu.memref_slice %arg5[%add3A_646, %dma_start3A_655, %dma_start3A_656] : memref<2048x4x1024xf32, #tpu.memory_space<hbm>> -> memref<1x4x1024xf32, #tpu.memory_space<hbm>>
      %dma_start3A_658 = tpu.memref_squeeze %dma_start3A_657 : memref<1x4x1024xf32, #tpu.memory_space<hbm>> -> memref<4x1024xf32, #tpu.memory_space<hbm>>
      %dma_start3A_659 = arith.constant 8 : i32
      %dma_start3A_660 = arith.constant 0 : i32
      %dma_start3A_661 = tpu.memref_slice %arg7[%rem3A_544, %dma_start3A_659, %dma_start3A_660] : memref<6x16x1024xf32, #tpu.memory_space<vmem>> -> memref<1x4x1024xf32, #tpu.memory_space<vmem>>
      %dma_start3A_662 = tpu.memref_squeeze %dma_start3A_661 : memref<1x4x1024xf32, #tpu.memory_space<vmem>> -> memref<4x1024xf32, #tpu.memory_space<vmem>>
      tpu.enqueue_dma source(%dma_start3A_662 : memref<4x1024xf32, #tpu.memory_space<vmem>>) target(%dma_start3A_658 : memref<4x1024xf32, #tpu.memory_space<hbm>>) target_semaphore(%arg11 : memref<!tpu.dma_semaphore, #tpu.memory_space<semaphore_mem>>)
      %add3A_663 = arith.constant 3 : i32
      %add3A_664 = arith.addi %select_n3A_608, %add3A_663 : i32
      %dma_start3A_665 = arith.constant 12 : i32
      %dma_start3A_666 = arith.constant 0 : i32
      %dma_start3A_667 = tpu.memref_slice %arg7[%rem3A_544, %dma_start3A_665, %dma_start3A_666] : memref<6x16x1024xf32, #tpu.memory_space<vmem>> -> memref<1x4x1024xf32, #tpu.memory_space<vmem>>
      %dma_start3A_668 = tpu.memref_squeeze %dma_start3A_667 : memref<1x4x1024xf32, #tpu.memory_space<vmem>> -> memref<4x1024xf32, #tpu.memory_space<vmem>>
      %dma_start3A_669 = arith.constant 0 : i32
      %dma_start3A_670 = arith.constant 0 : i32
      %dma_start3A_671 = tpu.memref_slice %arg5[%add3A_664, %dma_start3A_669, %dma_start3A_670] : memref<2048x4x1024xf32, #tpu.memory_space<hbm>> -> memref<1x4x1024xf32, #tpu.memory_space<hbm>>
      %dma_start3A_672 = tpu.memref_squeeze %dma_start3A_671 : memref<1x4x1024xf32, #tpu.memory_space<hbm>> -> memref<4x1024xf32, #tpu.memory_space<hbm>>
      %dma_start3A_673 = arith.constant 0 : i32
      %dma_start3A_674 = arith.constant 0 : i32
      %dma_start3A_675 = tpu.memref_slice %arg5[%add3A_664, %dma_start3A_673, %dma_start3A_674] : memref<2048x4x1024xf32, #tpu.memory_space<hbm>> -> memref<1x4x1024xf32, #tpu.memory_space<hbm>>
      %dma_start3A_676 = tpu.memref_squeeze %dma_start3A_675 : memref<1x4x1024xf32, #tpu.memory_space<hbm>> -> memref<4x1024xf32, #tpu.memory_space<hbm>>
      %dma_start3A_677 = arith.constant 12 : i32
      %dma_start3A_678 = arith.constant 0 : i32
      %dma_start3A_679 = tpu.memref_slice %arg7[%rem3A_544, %dma_start3A_677, %dma_start3A_678] : memref<6x16x1024xf32, #tpu.memory_space<vmem>> -> memref<1x4x1024xf32, #tpu.memory_space<vmem>>
      %dma_start3A_680 = tpu.memref_squeeze %dma_start3A_679 : memref<1x4x1024xf32, #tpu.memory_space<vmem>> -> memref<4x1024xf32, #tpu.memory_space<vmem>>
      tpu.enqueue_dma source(%dma_start3A_680 : memref<4x1024xf32, #tpu.memory_space<vmem>>) target(%dma_start3A_676 : memref<4x1024xf32, #tpu.memory_space<hbm>>) target_semaphore(%arg11 : memref<!tpu.dma_semaphore, #tpu.memory_space<semaphore_mem>>)
    }
    %scan3A_110 = arith.constant 16 : i32
    %dma_wait3A = arith.constant 0 : i32
    %dma_wait3A_111 = arith.constant 0 : i32
    %dma_wait3A_112 = arith.constant 0 : i32
    %dma_wait3A_113 = arith.constant 0 : i32
    %dma_wait3A_114 = tpu.memref_slice %arg7[%dma_wait3A, %dma_wait3A_112, %dma_wait3A_113] : memref<6x16x1024xf32, #tpu.memory_space<vmem>> -> memref<1x4x1024xf32, #tpu.memory_space<vmem>>
    %dma_wait3A_115 = tpu.memref_squeeze %dma_wait3A_114 : memref<1x4x1024xf32, #tpu.memory_space<vmem>> -> memref<4x1024xf32, #tpu.memory_space<vmem>>
    %dma_wait3A_116 = arith.constant 0 : i32
    %dma_wait3A_117 = arith.constant 0 : i32
    %dma_wait3A_118 = tpu.memref_slice %arg5[%dma_wait3A_111, %dma_wait3A_116, %dma_wait3A_117] : memref<2048x4x1024xf32, #tpu.memory_space<hbm>> -> memref<1x4x1024xf32, #tpu.memory_space<hbm>>
    %dma_wait3A_119 = tpu.memref_squeeze %dma_wait3A_118 : memref<1x4x1024xf32, #tpu.memory_space<hbm>> -> memref<4x1024xf32, #tpu.memory_space<hbm>>
    %dma_wait3A_120 = arith.constant 0 : i32
    %dma_wait3A_121 = arith.constant 0 : i32
    %dma_wait3A_122 = tpu.memref_slice %arg5[%dma_wait3A_111, %dma_wait3A_120, %dma_wait3A_121] : memref<2048x4x1024xf32, #tpu.memory_space<hbm>> -> memref<1x4x1024xf32, #tpu.memory_space<hbm>>
    %dma_wait3A_123 = tpu.memref_squeeze %dma_wait3A_122 : memref<1x4x1024xf32, #tpu.memory_space<hbm>> -> memref<4x1024xf32, #tpu.memory_space<hbm>>
    %dma_wait3A_124 = arith.constant 0 : i32
    %dma_wait3A_125 = arith.constant 0 : i32
    %dma_wait3A_126 = tpu.memref_slice %arg7[%dma_wait3A, %dma_wait3A_124, %dma_wait3A_125] : memref<6x16x1024xf32, #tpu.memory_space<vmem>> -> memref<1x4x1024xf32, #tpu.memory_space<vmem>>
    %dma_wait3A_127 = tpu.memref_squeeze %dma_wait3A_126 : memref<1x4x1024xf32, #tpu.memory_space<vmem>> -> memref<4x1024xf32, #tpu.memory_space<vmem>>
    tpu.wait_dma2 semaphore(%arg11 : memref<!tpu.dma_semaphore, #tpu.memory_space<semaphore_mem>>) src(%dma_wait3A_127 : memref<4x1024xf32, #tpu.memory_space<vmem>>) dst(%dma_wait3A_123 : memref<4x1024xf32, #tpu.memory_space<hbm>>)
    %dma_wait3A_128 = arith.constant 0 : i32
    %dma_wait3A_129 = arith.constant 0 : i32
    %dma_wait3A_130 = arith.constant 0 : i32
    %dma_wait3A_131 = arith.constant 0 : i32
    %dma_wait3A_132 = tpu.memref_slice %arg7[%dma_wait3A_128, %dma_wait3A_130, %dma_wait3A_131] : memref<6x16x1024xf32, #tpu.memory_space<vmem>> -> memref<1x4x1024xf32, #tpu.memory_space<vmem>>
    %dma_wait3A_133 = tpu.memref_squeeze %dma_wait3A_132 : memref<1x4x1024xf32, #tpu.memory_space<vmem>> -> memref<4x1024xf32, #tpu.memory_space<vmem>>
    %dma_wait3A_134 = arith.constant 0 : i32
    %dma_wait3A_135 = arith.constant 0 : i32
    %dma_wait3A_136 = tpu.memref_slice %arg5[%dma_wait3A_129, %dma_wait3A_134, %dma_wait3A_135] : memref<2048x4x1024xf32, #tpu.memory_space<hbm>> -> memref<1x4x1024xf32, #tpu.memory_space<hbm>>
    %dma_wait3A_137 = tpu.memref_squeeze %dma_wait3A_136 : memref<1x4x1024xf32, #tpu.memory_space<hbm>> -> memref<4x1024xf32, #tpu.memory_space<hbm>>
    %dma_wait3A_138 = arith.constant 0 : i32
    %dma_wait3A_139 = arith.constant 0 : i32
    %dma_wait3A_140 = tpu.memref_slice %arg5[%dma_wait3A_129, %dma_wait3A_138, %dma_wait3A_139] : memref<2048x4x1024xf32, #tpu.memory_space<hbm>> -> memref<1x4x1024xf32, #tpu.memory_space<hbm>>
    %dma_wait3A_141 = tpu.memref_squeeze %dma_wait3A_140 : memref<1x4x1024xf32, #tpu.memory_space<hbm>> -> memref<4x1024xf32, #tpu.memory_space<hbm>>
    %dma_wait3A_142 = arith.constant 0 : i32
    %dma_wait3A_143 = arith.constant 0 : i32
    %dma_wait3A_144 = tpu.memref_slice %arg7[%dma_wait3A_128, %dma_wait3A_142, %dma_wait3A_143] : memref<6x16x1024xf32, #tpu.memory_space<vmem>> -> memref<1x4x1024xf32, #tpu.memory_space<vmem>>
    %dma_wait3A_145 = tpu.memref_squeeze %dma_wait3A_144 : memref<1x4x1024xf32, #tpu.memory_space<vmem>> -> memref<4x1024xf32, #tpu.memory_space<vmem>>
    tpu.wait_dma2 semaphore(%arg11 : memref<!tpu.dma_semaphore, #tpu.memory_space<semaphore_mem>>) src(%dma_wait3A_145 : memref<4x1024xf32, #tpu.memory_space<vmem>>) dst(%dma_wait3A_141 : memref<4x1024xf32, #tpu.memory_space<hbm>>)
    %dma_wait3A_146 = arith.constant 0 : i32
    %dma_wait3A_147 = arith.constant 0 : i32
    %dma_wait3A_148 = arith.constant 0 : i32
    %dma_wait3A_149 = arith.constant 0 : i32
    %dma_wait3A_150 = tpu.memref_slice %arg7[%dma_wait3A_146, %dma_wait3A_148, %dma_wait3A_149] : memref<6x16x1024xf32, #tpu.memory_space<vmem>> -> memref<1x4x1024xf32, #tpu.memory_space<vmem>>
    %dma_wait3A_151 = tpu.memref_squeeze %dma_wait3A_150 : memref<1x4x1024xf32, #tpu.memory_space<vmem>> -> memref<4x1024xf32, #tpu.memory_space<vmem>>
    %dma_wait3A_152 = arith.constant 0 : i32
    %dma_wait3A_153 = arith.constant 0 : i32
    %dma_wait3A_154 = tpu.memref_slice %arg5[%dma_wait3A_147, %dma_wait3A_152, %dma_wait3A_153] : memref<2048x4x1024xf32, #tpu.memory_space<hbm>> -> memref<1x4x1024xf32, #tpu.memory_space<hbm>>
    %dma_wait3A_155 = tpu.memref_squeeze %dma_wait3A_154 : memref<1x4x1024xf32, #tpu.memory_space<hbm>> -> memref<4x1024xf32, #tpu.memory_space<hbm>>
    %dma_wait3A_156 = arith.constant 0 : i32
    %dma_wait3A_157 = arith.constant 0 : i32
    %dma_wait3A_158 = tpu.memref_slice %arg5[%dma_wait3A_147, %dma_wait3A_156, %dma_wait3A_157] : memref<2048x4x1024xf32, #tpu.memory_space<hbm>> -> memref<1x4x1024xf32, #tpu.memory_space<hbm>>
    %dma_wait3A_159 = tpu.memref_squeeze %dma_wait3A_158 : memref<1x4x1024xf32, #tpu.memory_space<hbm>> -> memref<4x1024xf32, #tpu.memory_space<hbm>>
    %dma_wait3A_160 = arith.constant 0 : i32
    %dma_wait3A_161 = arith.constant 0 : i32
    %dma_wait3A_162 = tpu.memref_slice %arg7[%dma_wait3A_146, %dma_wait3A_160, %dma_wait3A_161] : memref<6x16x1024xf32, #tpu.memory_space<vmem>> -> memref<1x4x1024xf32, #tpu.memory_space<vmem>>
    %dma_wait3A_163 = tpu.memref_squeeze %dma_wait3A_162 : memref<1x4x1024xf32, #tpu.memory_space<vmem>> -> memref<4x1024xf32, #tpu.memory_space<vmem>>
    tpu.wait_dma2 semaphore(%arg11 : memref<!tpu.dma_semaphore, #tpu.memory_space<semaphore_mem>>) src(%dma_wait3A_163 : memref<4x1024xf32, #tpu.memory_space<vmem>>) dst(%dma_wait3A_159 : memref<4x1024xf32, #tpu.memory_space<hbm>>)
    %dma_wait3A_164 = arith.constant 0 : i32
    %dma_wait3A_165 = arith.constant 0 : i32
    %dma_wait3A_166 = arith.constant 0 : i32
    %dma_wait3A_167 = arith.constant 0 : i32
    %dma_wait3A_168 = tpu.memref_slice %arg7[%dma_wait3A_164, %dma_wait3A_166, %dma_wait3A_167] : memref<6x16x1024xf32, #tpu.memory_space<vmem>> -> memref<1x4x1024xf32, #tpu.memory_space<vmem>>
    %dma_wait3A_169 = tpu.memref_squeeze %dma_wait3A_168 : memref<1x4x1024xf32, #tpu.memory_space<vmem>> -> memref<4x1024xf32, #tpu.memory_space<vmem>>
    %dma_wait3A_170 = arith.constant 0 : i32
    %dma_wait3A_171 = arith.constant 0 : i32
    %dma_wait3A_172 = tpu.memref_slice %arg5[%dma_wait3A_165, %dma_wait3A_170, %dma_wait3A_171] : memref<2048x4x1024xf32, #tpu.memory_space<hbm>> -> memref<1x4x1024xf32, #tpu.memory_space<hbm>>
    %dma_wait3A_173 = tpu.memref_squeeze %dma_wait3A_172 : memref<1x4x1024xf32, #tpu.memory_space<hbm>> -> memref<4x1024xf32, #tpu.memory_space<hbm>>
    %dma_wait3A_174 = arith.constant 0 : i32
    %dma_wait3A_175 = arith.constant 0 : i32
    %dma_wait3A_176 = tpu.memref_slice %arg5[%dma_wait3A_165, %dma_wait3A_174, %dma_wait3A_175] : memref<2048x4x1024xf32, #tpu.memory_space<hbm>> -> memref<1x4x1024xf32, #tpu.memory_space<hbm>>
    %dma_wait3A_177 = tpu.memref_squeeze %dma_wait3A_176 : memref<1x4x1024xf32, #tpu.memory_space<hbm>> -> memref<4x1024xf32, #tpu.memory_space<hbm>>
    %dma_wait3A_178 = arith.constant 0 : i32
    %dma_wait3A_179 = arith.constant 0 : i32
    %dma_wait3A_180 = tpu.memref_slice %arg7[%dma_wait3A_164, %dma_wait3A_178, %dma_wait3A_179] : memref<6x16x1024xf32, #tpu.memory_space<vmem>> -> memref<1x4x1024xf32, #tpu.memory_space<vmem>>
    %dma_wait3A_181 = tpu.memref_squeeze %dma_wait3A_180 : memref<1x4x1024xf32, #tpu.memory_space<vmem>> -> memref<4x1024xf32, #tpu.memory_space<vmem>>
    tpu.wait_dma2 semaphore(%arg11 : memref<!tpu.dma_semaphore, #tpu.memory_space<semaphore_mem>>) src(%dma_wait3A_181 : memref<4x1024xf32, #tpu.memory_space<vmem>>) dst(%dma_wait3A_177 : memref<4x1024xf32, #tpu.memory_space<hbm>>)
    %dma_wait3A_182 = arith.constant 0 : i32
    %dma_wait3A_183 = arith.constant 0 : i32
    %dma_wait3A_184 = arith.constant 0 : i32
    %dma_wait3A_185 = arith.constant 0 : i32
    %dma_wait3A_186 = tpu.memref_slice %arg7[%dma_wait3A_182, %dma_wait3A_184, %dma_wait3A_185] : memref<6x16x1024xf32, #tpu.memory_space<vmem>> -> memref<1x4x1024xf32, #tpu.memory_space<vmem>>
    %dma_wait3A_187 = tpu.memref_squeeze %dma_wait3A_186 : memref<1x4x1024xf32, #tpu.memory_space<vmem>> -> memref<4x1024xf32, #tpu.memory_space<vmem>>
    %dma_wait3A_188 = arith.constant 0 : i32
    %dma_wait3A_189 = arith.constant 0 : i32
    %dma_wait3A_190 = tpu.memref_slice %arg5[%dma_wait3A_183, %dma_wait3A_188, %dma_wait3A_189] : memref<2048x4x1024xf32, #tpu.memory_space<hbm>> -> memref<1x4x1024xf32, #tpu.memory_space<hbm>>
    %dma_wait3A_191 = tpu.memref_squeeze %dma_wait3A_190 : memref<1x4x1024xf32, #tpu.memory_space<hbm>> -> memref<4x1024xf32, #tpu.memory_space<hbm>>
    %dma_wait3A_192 = arith.constant 0 : i32
    %dma_wait3A_193 = arith.constant 0 : i32
    %dma_wait3A_194 = tpu.memref_slice %arg5[%dma_wait3A_183, %dma_wait3A_192, %dma_wait3A_193] : memref<2048x4x1024xf32, #tpu.memory_space<hbm>> -> memref<1x4x1024xf32, #tpu.memory_space<hbm>>
    %dma_wait3A_195 = tpu.memref_squeeze %dma_wait3A_194 : memref<1x4x1024xf32, #tpu.memory_space<hbm>> -> memref<4x1024xf32, #tpu.memory_space<hbm>>
    %dma_wait3A_196 = arith.constant 0 : i32
    %dma_wait3A_197 = arith.constant 0 : i32
    %dma_wait3A_198 = tpu.memref_slice %arg7[%dma_wait3A_182, %dma_wait3A_196, %dma_wait3A_197] : memref<6x16x1024xf32, #tpu.memory_space<vmem>> -> memref<1x4x1024xf32, #tpu.memory_space<vmem>>
    %dma_wait3A_199 = tpu.memref_squeeze %dma_wait3A_198 : memref<1x4x1024xf32, #tpu.memory_space<vmem>> -> memref<4x1024xf32, #tpu.memory_space<vmem>>
    tpu.wait_dma2 semaphore(%arg11 : memref<!tpu.dma_semaphore, #tpu.memory_space<semaphore_mem>>) src(%dma_wait3A_199 : memref<4x1024xf32, #tpu.memory_space<vmem>>) dst(%dma_wait3A_195 : memref<4x1024xf32, #tpu.memory_space<hbm>>)
    %dma_wait3A_200 = arith.constant 0 : i32
    %dma_wait3A_201 = arith.constant 0 : i32
    %dma_wait3A_202 = arith.constant 0 : i32
    %dma_wait3A_203 = arith.constant 0 : i32
    %dma_wait3A_204 = tpu.memref_slice %arg7[%dma_wait3A_200, %dma_wait3A_202, %dma_wait3A_203] : memref<6x16x1024xf32, #tpu.memory_space<vmem>> -> memref<1x4x1024xf32, #tpu.memory_space<vmem>>
    %dma_wait3A_205 = tpu.memref_squeeze %dma_wait3A_204 : memref<1x4x1024xf32, #tpu.memory_space<vmem>> -> memref<4x1024xf32, #tpu.memory_space<vmem>>
    %dma_wait3A_206 = arith.constant 0 : i32
    %dma_wait3A_207 = arith.constant 0 : i32
    %dma_wait3A_208 = tpu.memref_slice %arg5[%dma_wait3A_201, %dma_wait3A_206, %dma_wait3A_207] : memref<2048x4x1024xf32, #tpu.memory_space<hbm>> -> memref<1x4x1024xf32, #tpu.memory_space<hbm>>
    %dma_wait3A_209 = tpu.memref_squeeze %dma_wait3A_208 : memref<1x4x1024xf32, #tpu.memory_space<hbm>> -> memref<4x1024xf32, #tpu.memory_space<hbm>>
    %dma_wait3A_210 = arith.constant 0 : i32
    %dma_wait3A_211 = arith.constant 0 : i32
    %dma_wait3A_212 = tpu.memref_slice %arg5[%dma_wait3A_201, %dma_wait3A_210, %dma_wait3A_211] : memref<2048x4x1024xf32, #tpu.memory_space<hbm>> -> memref<1x4x1024xf32, #tpu.memory_space<hbm>>
    %dma_wait3A_213 = tpu.memref_squeeze %dma_wait3A_212 : memref<1x4x1024xf32, #tpu.memory_space<hbm>> -> memref<4x1024xf32, #tpu.memory_space<hbm>>
    %dma_wait3A_214 = arith.constant 0 : i32
    %dma_wait3A_215 = arith.constant 0 : i32
    %dma_wait3A_216 = tpu.memref_slice %arg7[%dma_wait3A_200, %dma_wait3A_214, %dma_wait3A_215] : memref<6x16x1024xf32, #tpu.memory_space<vmem>> -> memref<1x4x1024xf32, #tpu.memory_space<vmem>>
    %dma_wait3A_217 = tpu.memref_squeeze %dma_wait3A_216 : memref<1x4x1024xf32, #tpu.memory_space<vmem>> -> memref<4x1024xf32, #tpu.memory_space<vmem>>
    tpu.wait_dma2 semaphore(%arg11 : memref<!tpu.dma_semaphore, #tpu.memory_space<semaphore_mem>>) src(%dma_wait3A_217 : memref<4x1024xf32, #tpu.memory_space<vmem>>) dst(%dma_wait3A_213 : memref<4x1024xf32, #tpu.memory_space<hbm>>)
    %dma_wait3A_218 = arith.constant 0 : i32
    %dma_wait3A_219 = arith.constant 0 : i32
    %dma_wait3A_220 = arith.constant 0 : i32
    %dma_wait3A_221 = arith.constant 0 : i32
    %dma_wait3A_222 = tpu.memref_slice %arg7[%dma_wait3A_218, %dma_wait3A_220, %dma_wait3A_221] : memref<6x16x1024xf32, #tpu.memory_space<vmem>> -> memref<1x4x1024xf32, #tpu.memory_space<vmem>>
    %dma_wait3A_223 = tpu.memref_squeeze %dma_wait3A_222 : memref<1x4x1024xf32, #tpu.memory_space<vmem>> -> memref<4x1024xf32, #tpu.memory_space<vmem>>
    %dma_wait3A_224 = arith.constant 0 : i32
    %dma_wait3A_225 = arith.constant 0 : i32
    %dma_wait3A_226 = tpu.memref_slice %arg5[%dma_wait3A_219, %dma_wait3A_224, %dma_wait3A_225] : memref<2048x4x1024xf32, #tpu.memory_space<hbm>> -> memref<1x4x1024xf32, #tpu.memory_space<hbm>>
    %dma_wait3A_227 = tpu.memref_squeeze %dma_wait3A_226 : memref<1x4x1024xf32, #tpu.memory_space<hbm>> -> memref<4x1024xf32, #tpu.memory_space<hbm>>
    %dma_wait3A_228 = arith.constant 0 : i32
    %dma_wait3A_229 = arith.constant 0 : i32
    %dma_wait3A_230 = tpu.memref_slice %arg5[%dma_wait3A_219, %dma_wait3A_228, %dma_wait3A_229] : memref<2048x4x1024xf32, #tpu.memory_space<hbm>> -> memref<1x4x1024xf32, #tpu.memory_space<hbm>>
    %dma_wait3A_231 = tpu.memref_squeeze %dma_wait3A_230 : memref<1x4x1024xf32, #tpu.memory_space<hbm>> -> memref<4x1024xf32, #tpu.memory_space<hbm>>
    %dma_wait3A_232 = arith.constant 0 : i32
    %dma_wait3A_233 = arith.constant 0 : i32
    %dma_wait3A_234 = tpu.memref_slice %arg7[%dma_wait3A_218, %dma_wait3A_232, %dma_wait3A_233] : memref<6x16x1024xf32, #tpu.memory_space<vmem>> -> memref<1x4x1024xf32, #tpu.memory_space<vmem>>
    %dma_wait3A_235 = tpu.memref_squeeze %dma_wait3A_234 : memref<1x4x1024xf32, #tpu.memory_space<vmem>> -> memref<4x1024xf32, #tpu.memory_space<vmem>>
    tpu.wait_dma2 semaphore(%arg11 : memref<!tpu.dma_semaphore, #tpu.memory_space<semaphore_mem>>) src(%dma_wait3A_235 : memref<4x1024xf32, #tpu.memory_space<vmem>>) dst(%dma_wait3A_231 : memref<4x1024xf32, #tpu.memory_space<hbm>>)
    %dma_wait3A_236 = arith.constant 0 : i32
    %dma_wait3A_237 = arith.constant 0 : i32
    %dma_wait3A_238 = arith.constant 0 : i32
    %dma_wait3A_239 = arith.constant 0 : i32
    %dma_wait3A_240 = tpu.memref_slice %arg7[%dma_wait3A_236, %dma_wait3A_238, %dma_wait3A_239] : memref<6x16x1024xf32, #tpu.memory_space<vmem>> -> memref<1x4x1024xf32, #tpu.memory_space<vmem>>
    %dma_wait3A_241 = tpu.memref_squeeze %dma_wait3A_240 : memref<1x4x1024xf32, #tpu.memory_space<vmem>> -> memref<4x1024xf32, #tpu.memory_space<vmem>>
    %dma_wait3A_242 = arith.constant 0 : i32
    %dma_wait3A_243 = arith.constant 0 : i32
    %dma_wait3A_244 = tpu.memref_slice %arg5[%dma_wait3A_237, %dma_wait3A_242, %dma_wait3A_243] : memref<2048x4x1024xf32, #tpu.memory_space<hbm>> -> memref<1x4x1024xf32, #tpu.memory_space<hbm>>
    %dma_wait3A_245 = tpu.memref_squeeze %dma_wait3A_244 : memref<1x4x1024xf32, #tpu.memory_space<hbm>> -> memref<4x1024xf32, #tpu.memory_space<hbm>>
    %dma_wait3A_246 = arith.constant 0 : i32
    %dma_wait3A_247 = arith.constant 0 : i32
    %dma_wait3A_248 = tpu.memref_slice %arg5[%dma_wait3A_237, %dma_wait3A_246, %dma_wait3A_247] : memref<2048x4x1024xf32, #tpu.memory_space<hbm>> -> memref<1x4x1024xf32, #tpu.memory_space<hbm>>
    %dma_wait3A_249 = tpu.memref_squeeze %dma_wait3A_248 : memref<1x4x1024xf32, #tpu.memory_space<hbm>> -> memref<4x1024xf32, #tpu.memory_space<hbm>>
    %dma_wait3A_250 = arith.constant 0 : i32
    %dma_wait3A_251 = arith.constant 0 : i32
    %dma_wait3A_252 = tpu.memref_slice %arg7[%dma_wait3A_236, %dma_wait3A_250, %dma_wait3A_251] : memref<6x16x1024xf32, #tpu.memory_space<vmem>> -> memref<1x4x1024xf32, #tpu.memory_space<vmem>>
    %dma_wait3A_253 = tpu.memref_squeeze %dma_wait3A_252 : memref<1x4x1024xf32, #tpu.memory_space<vmem>> -> memref<4x1024xf32, #tpu.memory_space<vmem>>
    tpu.wait_dma2 semaphore(%arg11 : memref<!tpu.dma_semaphore, #tpu.memory_space<semaphore_mem>>) src(%dma_wait3A_253 : memref<4x1024xf32, #tpu.memory_space<vmem>>) dst(%dma_wait3A_249 : memref<4x1024xf32, #tpu.memory_space<hbm>>)
    %dma_wait3A_254 = arith.constant 0 : i32
    %dma_wait3A_255 = arith.constant 0 : i32
    %dma_wait3A_256 = arith.constant 0 : i32
    %dma_wait3A_257 = arith.constant 0 : i32
    %dma_wait3A_258 = tpu.memref_slice %arg7[%dma_wait3A_254, %dma_wait3A_256, %dma_wait3A_257] : memref<6x16x1024xf32, #tpu.memory_space<vmem>> -> memref<1x4x1024xf32, #tpu.memory_space<vmem>>
    %dma_wait3A_259 = tpu.memref_squeeze %dma_wait3A_258 : memref<1x4x1024xf32, #tpu.memory_space<vmem>> -> memref<4x1024xf32, #tpu.memory_space<vmem>>
    %dma_wait3A_260 = arith.constant 0 : i32
    %dma_wait3A_261 = arith.constant 0 : i32
    %dma_wait3A_262 = tpu.memref_slice %arg5[%dma_wait3A_255, %dma_wait3A_260, %dma_wait3A_261] : memref<2048x4x1024xf32, #tpu.memory_space<hbm>> -> memref<1x4x1024xf32, #tpu.memory_space<hbm>>
    %dma_wait3A_263 = tpu.memref_squeeze %dma_wait3A_262 : memref<1x4x1024xf32, #tpu.memory_space<hbm>> -> memref<4x1024xf32, #tpu.memory_space<hbm>>
    %dma_wait3A_264 = arith.constant 0 : i32
    %dma_wait3A_265 = arith.constant 0 : i32
    %dma_wait3A_266 = tpu.memref_slice %arg5[%dma_wait3A_255, %dma_wait3A_264, %dma_wait3A_265] : memref<2048x4x1024xf32, #tpu.memory_space<hbm>> -> memref<1x4x1024xf32, #tpu.memory_space<hbm>>
    %dma_wait3A_267 = tpu.memref_squeeze %dma_wait3A_266 : memref<1x4x1024xf32, #tpu.memory_space<hbm>> -> memref<4x1024xf32, #tpu.memory_space<hbm>>
    %dma_wait3A_268 = arith.constant 0 : i32
    %dma_wait3A_269 = arith.constant 0 : i32
    %dma_wait3A_270 = tpu.memref_slice %arg7[%dma_wait3A_254, %dma_wait3A_268, %dma_wait3A_269] : memref<6x16x1024xf32, #tpu.memory_space<vmem>> -> memref<1x4x1024xf32, #tpu.memory_space<vmem>>
    %dma_wait3A_271 = tpu.memref_squeeze %dma_wait3A_270 : memref<1x4x1024xf32, #tpu.memory_space<vmem>> -> memref<4x1024xf32, #tpu.memory_space<vmem>>
    tpu.wait_dma2 semaphore(%arg11 : memref<!tpu.dma_semaphore, #tpu.memory_space<semaphore_mem>>) src(%dma_wait3A_271 : memref<4x1024xf32, #tpu.memory_space<vmem>>) dst(%dma_wait3A_267 : memref<4x1024xf32, #tpu.memory_space<hbm>>)
    %dma_wait3A_272 = arith.constant 0 : i32
    %dma_wait3A_273 = arith.constant 0 : i32
    %dma_wait3A_274 = arith.constant 0 : i32
    %dma_wait3A_275 = arith.constant 0 : i32
    %dma_wait3A_276 = tpu.memref_slice %arg7[%dma_wait3A_272, %dma_wait3A_274, %dma_wait3A_275] : memref<6x16x1024xf32, #tpu.memory_space<vmem>> -> memref<1x4x1024xf32, #tpu.memory_space<vmem>>
    %dma_wait3A_277 = tpu.memref_squeeze %dma_wait3A_276 : memref<1x4x1024xf32, #tpu.memory_space<vmem>> -> memref<4x1024xf32, #tpu.memory_space<vmem>>
    %dma_wait3A_278 = arith.constant 0 : i32
    %dma_wait3A_279 = arith.constant 0 : i32
    %dma_wait3A_280 = tpu.memref_slice %arg5[%dma_wait3A_273, %dma_wait3A_278, %dma_wait3A_279] : memref<2048x4x1024xf32, #tpu.memory_space<hbm>> -> memref<1x4x1024xf32, #tpu.memory_space<hbm>>
    %dma_wait3A_281 = tpu.memref_squeeze %dma_wait3A_280 : memref<1x4x1024xf32, #tpu.memory_space<hbm>> -> memref<4x1024xf32, #tpu.memory_space<hbm>>
    %dma_wait3A_282 = arith.constant 0 : i32
    %dma_wait3A_283 = arith.constant 0 : i32
    %dma_wait3A_284 = tpu.memref_slice %arg5[%dma_wait3A_273, %dma_wait3A_282, %dma_wait3A_283] : memref<2048x4x1024xf32, #tpu.memory_space<hbm>> -> memref<1x4x1024xf32, #tpu.memory_space<hbm>>
    %dma_wait3A_285 = tpu.memref_squeeze %dma_wait3A_284 : memref<1x4x1024xf32, #tpu.memory_space<hbm>> -> memref<4x1024xf32, #tpu.memory_space<hbm>>
    %dma_wait3A_286 = arith.constant 0 : i32
    %dma_wait3A_287 = arith.constant 0 : i32
    %dma_wait3A_288 = tpu.memref_slice %arg7[%dma_wait3A_272, %dma_wait3A_286, %dma_wait3A_287] : memref<6x16x1024xf32, #tpu.memory_space<vmem>> -> memref<1x4x1024xf32, #tpu.memory_space<vmem>>
    %dma_wait3A_289 = tpu.memref_squeeze %dma_wait3A_288 : memref<1x4x1024xf32, #tpu.memory_space<vmem>> -> memref<4x1024xf32, #tpu.memory_space<vmem>>
    tpu.wait_dma2 semaphore(%arg11 : memref<!tpu.dma_semaphore, #tpu.memory_space<semaphore_mem>>) src(%dma_wait3A_289 : memref<4x1024xf32, #tpu.memory_space<vmem>>) dst(%dma_wait3A_285 : memref<4x1024xf32, #tpu.memory_space<hbm>>)
    %dma_wait3A_290 = arith.constant 0 : i32
    %dma_wait3A_291 = arith.constant 0 : i32
    %dma_wait3A_292 = arith.constant 0 : i32
    %dma_wait3A_293 = arith.constant 0 : i32
    %dma_wait3A_294 = tpu.memref_slice %arg7[%dma_wait3A_290, %dma_wait3A_292, %dma_wait3A_293] : memref<6x16x1024xf32, #tpu.memory_space<vmem>> -> memref<1x4x1024xf32, #tpu.memory_space<vmem>>
    %dma_wait3A_295 = tpu.memref_squeeze %dma_wait3A_294 : memref<1x4x1024xf32, #tpu.memory_space<vmem>> -> memref<4x1024xf32, #tpu.memory_space<vmem>>
    %dma_wait3A_296 = arith.constant 0 : i32
    %dma_wait3A_297 = arith.constant 0 : i32
    %dma_wait3A_298 = tpu.memref_slice %arg5[%dma_wait3A_291, %dma_wait3A_296, %dma_wait3A_297] : memref<2048x4x1024xf32, #tpu.memory_space<hbm>> -> memref<1x4x1024xf32, #tpu.memory_space<hbm>>
    %dma_wait3A_299 = tpu.memref_squeeze %dma_wait3A_298 : memref<1x4x1024xf32, #tpu.memory_space<hbm>> -> memref<4x1024xf32, #tpu.memory_space<hbm>>
    %dma_wait3A_300 = arith.constant 0 : i32
    %dma_wait3A_301 = arith.constant 0 : i32
    %dma_wait3A_302 = tpu.memref_slice %arg5[%dma_wait3A_291, %dma_wait3A_300, %dma_wait3A_301] : memref<2048x4x1024xf32, #tpu.memory_space<hbm>> -> memref<1x4x1024xf32, #tpu.memory_space<hbm>>
    %dma_wait3A_303 = tpu.memref_squeeze %dma_wait3A_302 : memref<1x4x1024xf32, #tpu.memory_space<hbm>> -> memref<4x1024xf32, #tpu.memory_space<hbm>>
    %dma_wait3A_304 = arith.constant 0 : i32
    %dma_wait3A_305 = arith.constant 0 : i32
    %dma_wait3A_306 = tpu.memref_slice %arg7[%dma_wait3A_290, %dma_wait3A_304, %dma_wait3A_305] : memref<6x16x1024xf32, #tpu.memory_space<vmem>> -> memref<1x4x1024xf32, #tpu.memory_space<vmem>>
    %dma_wait3A_307 = tpu.memref_squeeze %dma_wait3A_306 : memref<1x4x1024xf32, #tpu.memory_space<vmem>> -> memref<4x1024xf32, #tpu.memory_space<vmem>>
    tpu.wait_dma2 semaphore(%arg11 : memref<!tpu.dma_semaphore, #tpu.memory_space<semaphore_mem>>) src(%dma_wait3A_307 : memref<4x1024xf32, #tpu.memory_space<vmem>>) dst(%dma_wait3A_303 : memref<4x1024xf32, #tpu.memory_space<hbm>>)
    %dma_wait3A_308 = arith.constant 0 : i32
    %dma_wait3A_309 = arith.constant 0 : i32
    %dma_wait3A_310 = arith.constant 0 : i32
    %dma_wait3A_311 = arith.constant 0 : i32
    %dma_wait3A_312 = tpu.memref_slice %arg7[%dma_wait3A_308, %dma_wait3A_310, %dma_wait3A_311] : memref<6x16x1024xf32, #tpu.memory_space<vmem>> -> memref<1x4x1024xf32, #tpu.memory_space<vmem>>
    %dma_wait3A_313 = tpu.memref_squeeze %dma_wait3A_312 : memref<1x4x1024xf32, #tpu.memory_space<vmem>> -> memref<4x1024xf32, #tpu.memory_space<vmem>>
    %dma_wait3A_314 = arith.constant 0 : i32
    %dma_wait3A_315 = arith.constant 0 : i32
    %dma_wait3A_316 = tpu.memref_slice %arg5[%dma_wait3A_309, %dma_wait3A_314, %dma_wait3A_315] : memref<2048x4x1024xf32, #tpu.memory_space<hbm>> -> memref<1x4x1024xf32, #tpu.memory_space<hbm>>
    %dma_wait3A_317 = tpu.memref_squeeze %dma_wait3A_316 : memref<1x4x1024xf32, #tpu.memory_space<hbm>> -> memref<4x1024xf32, #tpu.memory_space<hbm>>
    %dma_wait3A_318 = arith.constant 0 : i32
    %dma_wait3A_319 = arith.constant 0 : i32
    %dma_wait3A_320 = tpu.memref_slice %arg5[%dma_wait3A_309, %dma_wait3A_318, %dma_wait3A_319] : memref<2048x4x1024xf32, #tpu.memory_space<hbm>> -> memref<1x4x1024xf32, #tpu.memory_space<hbm>>
    %dma_wait3A_321 = tpu.memref_squeeze %dma_wait3A_320 : memref<1x4x1024xf32, #tpu.memory_space<hbm>> -> memref<4x1024xf32, #tpu.memory_space<hbm>>
    %dma_wait3A_322 = arith.constant 0 : i32
    %dma_wait3A_323 = arith.constant 0 : i32
    %dma_wait3A_324 = tpu.memref_slice %arg7[%dma_wait3A_308, %dma_wait3A_322, %dma_wait3A_323] : memref<6x16x1024xf32, #tpu.memory_space<vmem>> -> memref<1x4x1024xf32, #tpu.memory_space<vmem>>
    %dma_wait3A_325 = tpu.memref_squeeze %dma_wait3A_324 : memref<1x4x1024xf32, #tpu.memory_space<vmem>> -> memref<4x1024xf32, #tpu.memory_space<vmem>>
    tpu.wait_dma2 semaphore(%arg11 : memref<!tpu.dma_semaphore, #tpu.memory_space<semaphore_mem>>) src(%dma_wait3A_325 : memref<4x1024xf32, #tpu.memory_space<vmem>>) dst(%dma_wait3A_321 : memref<4x1024xf32, #tpu.memory_space<hbm>>)
    %dma_wait3A_326 = arith.constant 0 : i32
    %dma_wait3A_327 = arith.constant 0 : i32
    %dma_wait3A_328 = arith.constant 0 : i32
    %dma_wait3A_329 = arith.constant 0 : i32
    %dma_wait3A_330 = tpu.memref_slice %arg7[%dma_wait3A_326, %dma_wait3A_328, %dma_wait3A_329] : memref<6x16x1024xf32, #tpu.memory_space<vmem>> -> memref<1x4x1024xf32, #tpu.memory_space<vmem>>
    %dma_wait3A_331 = tpu.memref_squeeze %dma_wait3A_330 : memref<1x4x1024xf32, #tpu.memory_space<vmem>> -> memref<4x1024xf32, #tpu.memory_space<vmem>>
    %dma_wait3A_332 = arith.constant 0 : i32
    %dma_wait3A_333 = arith.constant 0 : i32
    %dma_wait3A_334 = tpu.memref_slice %arg5[%dma_wait3A_327, %dma_wait3A_332, %dma_wait3A_333] : memref<2048x4x1024xf32, #tpu.memory_space<hbm>> -> memref<1x4x1024xf32, #tpu.memory_space<hbm>>
    %dma_wait3A_335 = tpu.memref_squeeze %dma_wait3A_334 : memref<1x4x1024xf32, #tpu.memory_space<hbm>> -> memref<4x1024xf32, #tpu.memory_space<hbm>>
    %dma_wait3A_336 = arith.constant 0 : i32
    %dma_wait3A_337 = arith.constant 0 : i32
    %dma_wait3A_338 = tpu.memref_slice %arg5[%dma_wait3A_327, %dma_wait3A_336, %dma_wait3A_337] : memref<2048x4x1024xf32, #tpu.memory_space<hbm>> -> memref<1x4x1024xf32, #tpu.memory_space<hbm>>
    %dma_wait3A_339 = tpu.memref_squeeze %dma_wait3A_338 : memref<1x4x1024xf32, #tpu.memory_space<hbm>> -> memref<4x1024xf32, #tpu.memory_space<hbm>>
    %dma_wait3A_340 = arith.constant 0 : i32
    %dma_wait3A_341 = arith.constant 0 : i32
    %dma_wait3A_342 = tpu.memref_slice %arg7[%dma_wait3A_326, %dma_wait3A_340, %dma_wait3A_341] : memref<6x16x1024xf32, #tpu.memory_space<vmem>> -> memref<1x4x1024xf32, #tpu.memory_space<vmem>>
    %dma_wait3A_343 = tpu.memref_squeeze %dma_wait3A_342 : memref<1x4x1024xf32, #tpu.memory_space<vmem>> -> memref<4x1024xf32, #tpu.memory_space<vmem>>
    tpu.wait_dma2 semaphore(%arg11 : memref<!tpu.dma_semaphore, #tpu.memory_space<semaphore_mem>>) src(%dma_wait3A_343 : memref<4x1024xf32, #tpu.memory_space<vmem>>) dst(%dma_wait3A_339 : memref<4x1024xf32, #tpu.memory_space<hbm>>)
    %dma_wait3A_344 = arith.constant 0 : i32
    %dma_wait3A_345 = arith.constant 0 : i32
    %dma_wait3A_346 = arith.constant 0 : i32
    %dma_wait3A_347 = arith.constant 0 : i32
    %dma_wait3A_348 = tpu.memref_slice %arg7[%dma_wait3A_344, %dma_wait3A_346, %dma_wait3A_347] : memref<6x16x1024xf32, #tpu.memory_space<vmem>> -> memref<1x4x1024xf32, #tpu.memory_space<vmem>>
    %dma_wait3A_349 = tpu.memref_squeeze %dma_wait3A_348 : memref<1x4x1024xf32, #tpu.memory_space<vmem>> -> memref<4x1024xf32, #tpu.memory_space<vmem>>
    %dma_wait3A_350 = arith.constant 0 : i32
    %dma_wait3A_351 = arith.constant 0 : i32
    %dma_wait3A_352 = tpu.memref_slice %arg5[%dma_wait3A_345, %dma_wait3A_350, %dma_wait3A_351] : memref<2048x4x1024xf32, #tpu.memory_space<hbm>> -> memref<1x4x1024xf32, #tpu.memory_space<hbm>>
    %dma_wait3A_353 = tpu.memref_squeeze %dma_wait3A_352 : memref<1x4x1024xf32, #tpu.memory_space<hbm>> -> memref<4x1024xf32, #tpu.memory_space<hbm>>
    %dma_wait3A_354 = arith.constant 0 : i32
    %dma_wait3A_355 = arith.constant 0 : i32
    %dma_wait3A_356 = tpu.memref_slice %arg5[%dma_wait3A_345, %dma_wait3A_354, %dma_wait3A_355] : memref<2048x4x1024xf32, #tpu.memory_space<hbm>> -> memref<1x4x1024xf32, #tpu.memory_space<hbm>>
    %dma_wait3A_357 = tpu.memref_squeeze %dma_wait3A_356 : memref<1x4x1024xf32, #tpu.memory_space<hbm>> -> memref<4x1024xf32, #tpu.memory_space<hbm>>
    %dma_wait3A_358 = arith.constant 0 : i32
    %dma_wait3A_359 = arith.constant 0 : i32
    %dma_wait3A_360 = tpu.memref_slice %arg7[%dma_wait3A_344, %dma_wait3A_358, %dma_wait3A_359] : memref<6x16x1024xf32, #tpu.memory_space<vmem>> -> memref<1x4x1024xf32, #tpu.memory_space<vmem>>
    %dma_wait3A_361 = tpu.memref_squeeze %dma_wait3A_360 : memref<1x4x1024xf32, #tpu.memory_space<vmem>> -> memref<4x1024xf32, #tpu.memory_space<vmem>>
    tpu.wait_dma2 semaphore(%arg11 : memref<!tpu.dma_semaphore, #tpu.memory_space<semaphore_mem>>) src(%dma_wait3A_361 : memref<4x1024xf32, #tpu.memory_space<vmem>>) dst(%dma_wait3A_357 : memref<4x1024xf32, #tpu.memory_space<hbm>>)
    %dma_wait3A_362 = arith.constant 0 : i32
    %dma_wait3A_363 = arith.constant 0 : i32
    %dma_wait3A_364 = arith.constant 0 : i32
    %dma_wait3A_365 = arith.constant 0 : i32
    %dma_wait3A_366 = tpu.memref_slice %arg7[%dma_wait3A_362, %dma_wait3A_364, %dma_wait3A_365] : memref<6x16x1024xf32, #tpu.memory_space<vmem>> -> memref<1x4x1024xf32, #tpu.memory_space<vmem>>
    %dma_wait3A_367 = tpu.memref_squeeze %dma_wait3A_366 : memref<1x4x1024xf32, #tpu.memory_space<vmem>> -> memref<4x1024xf32, #tpu.memory_space<vmem>>
    %dma_wait3A_368 = arith.constant 0 : i32
    %dma_wait3A_369 = arith.constant 0 : i32
    %dma_wait3A_370 = tpu.memref_slice %arg5[%dma_wait3A_363, %dma_wait3A_368, %dma_wait3A_369] : memref<2048x4x1024xf32, #tpu.memory_space<hbm>> -> memref<1x4x1024xf32, #tpu.memory_space<hbm>>
    %dma_wait3A_371 = tpu.memref_squeeze %dma_wait3A_370 : memref<1x4x1024xf32, #tpu.memory_space<hbm>> -> memref<4x1024xf32, #tpu.memory_space<hbm>>
    %dma_wait3A_372 = arith.constant 0 : i32
    %dma_wait3A_373 = arith.constant 0 : i32
    %dma_wait3A_374 = tpu.memref_slice %arg5[%dma_wait3A_363, %dma_wait3A_372, %dma_wait3A_373] : memref<2048x4x1024xf32, #tpu.memory_space<hbm>> -> memref<1x4x1024xf32, #tpu.memory_space<hbm>>
    %dma_wait3A_375 = tpu.memref_squeeze %dma_wait3A_374 : memref<1x4x1024xf32, #tpu.memory_space<hbm>> -> memref<4x1024xf32, #tpu.memory_space<hbm>>
    %dma_wait3A_376 = arith.constant 0 : i32
    %dma_wait3A_377 = arith.constant 0 : i32
    %dma_wait3A_378 = tpu.memref_slice %arg7[%dma_wait3A_362, %dma_wait3A_376, %dma_wait3A_377] : memref<6x16x1024xf32, #tpu.memory_space<vmem>> -> memref<1x4x1024xf32, #tpu.memory_space<vmem>>
    %dma_wait3A_379 = tpu.memref_squeeze %dma_wait3A_378 : memref<1x4x1024xf32, #tpu.memory_space<vmem>> -> memref<4x1024xf32, #tpu.memory_space<vmem>>
    tpu.wait_dma2 semaphore(%arg11 : memref<!tpu.dma_semaphore, #tpu.memory_space<semaphore_mem>>) src(%dma_wait3A_379 : memref<4x1024xf32, #tpu.memory_space<vmem>>) dst(%dma_wait3A_375 : memref<4x1024xf32, #tpu.memory_space<hbm>>)
    %dma_wait3A_380 = arith.constant 0 : i32
    %dma_wait3A_381 = arith.constant 0 : i32
    %dma_wait3A_382 = arith.constant 0 : i32
    %dma_wait3A_383 = arith.constant 0 : i32
    %dma_wait3A_384 = tpu.memref_slice %arg7[%dma_wait3A_380, %dma_wait3A_382, %dma_wait3A_383] : memref<6x16x1024xf32, #tpu.memory_space<vmem>> -> memref<1x4x1024xf32, #tpu.memory_space<vmem>>
    %dma_wait3A_385 = tpu.memref_squeeze %dma_wait3A_384 : memref<1x4x1024xf32, #tpu.memory_space<vmem>> -> memref<4x1024xf32, #tpu.memory_space<vmem>>
    %dma_wait3A_386 = arith.constant 0 : i32
    %dma_wait3A_387 = arith.constant 0 : i32
    %dma_wait3A_388 = tpu.memref_slice %arg5[%dma_wait3A_381, %dma_wait3A_386, %dma_wait3A_387] : memref<2048x4x1024xf32, #tpu.memory_space<hbm>> -> memref<1x4x1024xf32, #tpu.memory_space<hbm>>
    %dma_wait3A_389 = tpu.memref_squeeze %dma_wait3A_388 : memref<1x4x1024xf32, #tpu.memory_space<hbm>> -> memref<4x1024xf32, #tpu.memory_space<hbm>>
    %dma_wait3A_390 = arith.constant 0 : i32
    %dma_wait3A_391 = arith.constant 0 : i32
    %dma_wait3A_392 = tpu.memref_slice %arg5[%dma_wait3A_381, %dma_wait3A_390, %dma_wait3A_391] : memref<2048x4x1024xf32, #tpu.memory_space<hbm>> -> memref<1x4x1024xf32, #tpu.memory_space<hbm>>
    %dma_wait3A_393 = tpu.memref_squeeze %dma_wait3A_392 : memref<1x4x1024xf32, #tpu.memory_space<hbm>> -> memref<4x1024xf32, #tpu.memory_space<hbm>>
    %dma_wait3A_394 = arith.constant 0 : i32
    %dma_wait3A_395 = arith.constant 0 : i32
    %dma_wait3A_396 = tpu.memref_slice %arg7[%dma_wait3A_380, %dma_wait3A_394, %dma_wait3A_395] : memref<6x16x1024xf32, #tpu.memory_space<vmem>> -> memref<1x4x1024xf32, #tpu.memory_space<vmem>>
    %dma_wait3A_397 = tpu.memref_squeeze %dma_wait3A_396 : memref<1x4x1024xf32, #tpu.memory_space<vmem>> -> memref<4x1024xf32, #tpu.memory_space<vmem>>
    tpu.wait_dma2 semaphore(%arg11 : memref<!tpu.dma_semaphore, #tpu.memory_space<semaphore_mem>>) src(%dma_wait3A_397 : memref<4x1024xf32, #tpu.memory_space<vmem>>) dst(%dma_wait3A_393 : memref<4x1024xf32, #tpu.memory_space<hbm>>)
    %dma_wait3A_398 = arith.constant 0 : i32
    %dma_wait3A_399 = arith.constant 0 : i32
    %dma_wait3A_400 = arith.constant 0 : i32
    %dma_wait3A_401 = arith.constant 0 : i32
    %dma_wait3A_402 = tpu.memref_slice %arg7[%dma_wait3A_398, %dma_wait3A_400, %dma_wait3A_401] : memref<6x16x1024xf32, #tpu.memory_space<vmem>> -> memref<1x4x1024xf32, #tpu.memory_space<vmem>>
    %dma_wait3A_403 = tpu.memref_squeeze %dma_wait3A_402 : memref<1x4x1024xf32, #tpu.memory_space<vmem>> -> memref<4x1024xf32, #tpu.memory_space<vmem>>
    %dma_wait3A_404 = arith.constant 0 : i32
    %dma_wait3A_405 = arith.constant 0 : i32
    %dma_wait3A_406 = tpu.memref_slice %arg5[%dma_wait3A_399, %dma_wait3A_404, %dma_wait3A_405] : memref<2048x4x1024xf32, #tpu.memory_space<hbm>> -> memref<1x4x1024xf32, #tpu.memory_space<hbm>>
    %dma_wait3A_407 = tpu.memref_squeeze %dma_wait3A_406 : memref<1x4x1024xf32, #tpu.memory_space<hbm>> -> memref<4x1024xf32, #tpu.memory_space<hbm>>
    %dma_wait3A_408 = arith.constant 0 : i32
    %dma_wait3A_409 = arith.constant 0 : i32
    %dma_wait3A_410 = tpu.memref_slice %arg5[%dma_wait3A_399, %dma_wait3A_408, %dma_wait3A_409] : memref<2048x4x1024xf32, #tpu.memory_space<hbm>> -> memref<1x4x1024xf32, #tpu.memory_space<hbm>>
    %dma_wait3A_411 = tpu.memref_squeeze %dma_wait3A_410 : memref<1x4x1024xf32, #tpu.memory_space<hbm>> -> memref<4x1024xf32, #tpu.memory_space<hbm>>
    %dma_wait3A_412 = arith.constant 0 : i32
    %dma_wait3A_413 = arith.constant 0 : i32
    %dma_wait3A_414 = tpu.memref_slice %arg7[%dma_wait3A_398, %dma_wait3A_412, %dma_wait3A_413] : memref<6x16x1024xf32, #tpu.memory_space<vmem>> -> memref<1x4x1024xf32, #tpu.memory_space<vmem>>
    %dma_wait3A_415 = tpu.memref_squeeze %dma_wait3A_414 : memref<1x4x1024xf32, #tpu.memory_space<vmem>> -> memref<4x1024xf32, #tpu.memory_space<vmem>>
    tpu.wait_dma2 semaphore(%arg11 : memref<!tpu.dma_semaphore, #tpu.memory_space<semaphore_mem>>) src(%dma_wait3A_415 : memref<4x1024xf32, #tpu.memory_space<vmem>>) dst(%dma_wait3A_411 : memref<4x1024xf32, #tpu.memory_space<hbm>>)
    %dma_wait3A_416 = arith.constant 0 : i32
    %dma_wait3A_417 = arith.constant 0 : i32
    %dma_wait3A_418 = arith.constant 0 : i32
    %dma_wait3A_419 = arith.constant 0 : i32
    %dma_wait3A_420 = tpu.memref_slice %arg7[%dma_wait3A_416, %dma_wait3A_418, %dma_wait3A_419] : memref<6x16x1024xf32, #tpu.memory_space<vmem>> -> memref<1x4x1024xf32, #tpu.memory_space<vmem>>
    %dma_wait3A_421 = tpu.memref_squeeze %dma_wait3A_420 : memref<1x4x1024xf32, #tpu.memory_space<vmem>> -> memref<4x1024xf32, #tpu.memory_space<vmem>>
    %dma_wait3A_422 = arith.constant 0 : i32
    %dma_wait3A_423 = arith.constant 0 : i32
    %dma_wait3A_424 = tpu.memref_slice %arg5[%dma_wait3A_417, %dma_wait3A_422, %dma_wait3A_423] : memref<2048x4x1024xf32, #tpu.memory_space<hbm>> -> memref<1x4x1024xf32, #tpu.memory_space<hbm>>
    %dma_wait3A_425 = tpu.memref_squeeze %dma_wait3A_424 : memref<1x4x1024xf32, #tpu.memory_space<hbm>> -> memref<4x1024xf32, #tpu.memory_space<hbm>>
    %dma_wait3A_426 = arith.constant 0 : i32
    %dma_wait3A_427 = arith.constant 0 : i32
    %dma_wait3A_428 = tpu.memref_slice %arg5[%dma_wait3A_417, %dma_wait3A_426, %dma_wait3A_427] : memref<2048x4x1024xf32, #tpu.memory_space<hbm>> -> memref<1x4x1024xf32, #tpu.memory_space<hbm>>
    %dma_wait3A_429 = tpu.memref_squeeze %dma_wait3A_428 : memref<1x4x1024xf32, #tpu.memory_space<hbm>> -> memref<4x1024xf32, #tpu.memory_space<hbm>>
    %dma_wait3A_430 = arith.constant 0 : i32
    %dma_wait3A_431 = arith.constant 0 : i32
    %dma_wait3A_432 = tpu.memref_slice %arg7[%dma_wait3A_416, %dma_wait3A_430, %dma_wait3A_431] : memref<6x16x1024xf32, #tpu.memory_space<vmem>> -> memref<1x4x1024xf32, #tpu.memory_space<vmem>>
    %dma_wait3A_433 = tpu.memref_squeeze %dma_wait3A_432 : memref<1x4x1024xf32, #tpu.memory_space<vmem>> -> memref<4x1024xf32, #tpu.memory_space<vmem>>
    tpu.wait_dma2 semaphore(%arg11 : memref<!tpu.dma_semaphore, #tpu.memory_space<semaphore_mem>>) src(%dma_wait3A_433 : memref<4x1024xf32, #tpu.memory_space<vmem>>) dst(%dma_wait3A_429 : memref<4x1024xf32, #tpu.memory_space<hbm>>)
    %dma_wait3A_434 = arith.constant 0 : i32
    %dma_wait3A_435 = arith.constant 0 : i32
    %dma_wait3A_436 = arith.constant 0 : i32
    %dma_wait3A_437 = arith.constant 0 : i32
    %dma_wait3A_438 = tpu.memref_slice %arg7[%dma_wait3A_434, %dma_wait3A_436, %dma_wait3A_437] : memref<6x16x1024xf32, #tpu.memory_space<vmem>> -> memref<1x4x1024xf32, #tpu.memory_space<vmem>>
    %dma_wait3A_439 = tpu.memref_squeeze %dma_wait3A_438 : memref<1x4x1024xf32, #tpu.memory_space<vmem>> -> memref<4x1024xf32, #tpu.memory_space<vmem>>
    %dma_wait3A_440 = arith.constant 0 : i32
    %dma_wait3A_441 = arith.constant 0 : i32
    %dma_wait3A_442 = tpu.memref_slice %arg5[%dma_wait3A_435, %dma_wait3A_440, %dma_wait3A_441] : memref<2048x4x1024xf32, #tpu.memory_space<hbm>> -> memref<1x4x1024xf32, #tpu.memory_space<hbm>>
    %dma_wait3A_443 = tpu.memref_squeeze %dma_wait3A_442 : memref<1x4x1024xf32, #tpu.memory_space<hbm>> -> memref<4x1024xf32, #tpu.memory_space<hbm>>
    %dma_wait3A_444 = arith.constant 0 : i32
    %dma_wait3A_445 = arith.constant 0 : i32
    %dma_wait3A_446 = tpu.memref_slice %arg5[%dma_wait3A_435, %dma_wait3A_444, %dma_wait3A_445] : memref<2048x4x1024xf32, #tpu.memory_space<hbm>> -> memref<1x4x1024xf32, #tpu.memory_space<hbm>>
    %dma_wait3A_447 = tpu.memref_squeeze %dma_wait3A_446 : memref<1x4x1024xf32, #tpu.memory_space<hbm>> -> memref<4x1024xf32, #tpu.memory_space<hbm>>
    %dma_wait3A_448 = arith.constant 0 : i32
    %dma_wait3A_449 = arith.constant 0 : i32
    %dma_wait3A_450 = tpu.memref_slice %arg7[%dma_wait3A_434, %dma_wait3A_448, %dma_wait3A_449] : memref<6x16x1024xf32, #tpu.memory_space<vmem>> -> memref<1x4x1024xf32, #tpu.memory_space<vmem>>
    %dma_wait3A_451 = tpu.memref_squeeze %dma_wait3A_450 : memref<1x4x1024xf32, #tpu.memory_space<vmem>> -> memref<4x1024xf32, #tpu.memory_space<vmem>>
    tpu.wait_dma2 semaphore(%arg11 : memref<!tpu.dma_semaphore, #tpu.memory_space<semaphore_mem>>) src(%dma_wait3A_451 : memref<4x1024xf32, #tpu.memory_space<vmem>>) dst(%dma_wait3A_447 : memref<4x1024xf32, #tpu.memory_space<hbm>>)
    %dma_wait3A_452 = arith.constant 0 : i32
    %dma_wait3A_453 = arith.constant 0 : i32
    %dma_wait3A_454 = arith.constant 0 : i32
    %dma_wait3A_455 = arith.constant 0 : i32
    %dma_wait3A_456 = tpu.memref_slice %arg7[%dma_wait3A_452, %dma_wait3A_454, %dma_wait3A_455] : memref<6x16x1024xf32, #tpu.memory_space<vmem>> -> memref<1x4x1024xf32, #tpu.memory_space<vmem>>
    %dma_wait3A_457 = tpu.memref_squeeze %dma_wait3A_456 : memref<1x4x1024xf32, #tpu.memory_space<vmem>> -> memref<4x1024xf32, #tpu.memory_space<vmem>>
    %dma_wait3A_458 = arith.constant 0 : i32
    %dma_wait3A_459 = arith.constant 0 : i32
    %dma_wait3A_460 = tpu.memref_slice %arg5[%dma_wait3A_453, %dma_wait3A_458, %dma_wait3A_459] : memref<2048x4x1024xf32, #tpu.memory_space<hbm>> -> memref<1x4x1024xf32, #tpu.memory_space<hbm>>
    %dma_wait3A_461 = tpu.memref_squeeze %dma_wait3A_460 : memref<1x4x1024xf32, #tpu.memory_space<hbm>> -> memref<4x1024xf32, #tpu.memory_space<hbm>>
    %dma_wait3A_462 = arith.constant 0 : i32
    %dma_wait3A_463 = arith.constant 0 : i32
    %dma_wait3A_464 = tpu.memref_slice %arg5[%dma_wait3A_453, %dma_wait3A_462, %dma_wait3A_463] : memref<2048x4x1024xf32, #tpu.memory_space<hbm>> -> memref<1x4x1024xf32, #tpu.memory_space<hbm>>
    %dma_wait3A_465 = tpu.memref_squeeze %dma_wait3A_464 : memref<1x4x1024xf32, #tpu.memory_space<hbm>> -> memref<4x1024xf32, #tpu.memory_space<hbm>>
    %dma_wait3A_466 = arith.constant 0 : i32
    %dma_wait3A_467 = arith.constant 0 : i32
    %dma_wait3A_468 = tpu.memref_slice %arg7[%dma_wait3A_452, %dma_wait3A_466, %dma_wait3A_467] : memref<6x16x1024xf32, #tpu.memory_space<vmem>> -> memref<1x4x1024xf32, #tpu.memory_space<vmem>>
    %dma_wait3A_469 = tpu.memref_squeeze %dma_wait3A_468 : memref<1x4x1024xf32, #tpu.memory_space<vmem>> -> memref<4x1024xf32, #tpu.memory_space<vmem>>
    tpu.wait_dma2 semaphore(%arg11 : memref<!tpu.dma_semaphore, #tpu.memory_space<semaphore_mem>>) src(%dma_wait3A_469 : memref<4x1024xf32, #tpu.memory_space<vmem>>) dst(%dma_wait3A_465 : memref<4x1024xf32, #tpu.memory_space<hbm>>)
    %dma_wait3A_470 = arith.constant 0 : i32
    %dma_wait3A_471 = arith.constant 0 : i32
    %dma_wait3A_472 = arith.constant 0 : i32
    %dma_wait3A_473 = arith.constant 0 : i32
    %dma_wait3A_474 = tpu.memref_slice %arg7[%dma_wait3A_470, %dma_wait3A_472, %dma_wait3A_473] : memref<6x16x1024xf32, #tpu.memory_space<vmem>> -> memref<1x4x1024xf32, #tpu.memory_space<vmem>>
    %dma_wait3A_475 = tpu.memref_squeeze %dma_wait3A_474 : memref<1x4x1024xf32, #tpu.memory_space<vmem>> -> memref<4x1024xf32, #tpu.memory_space<vmem>>
    %dma_wait3A_476 = arith.constant 0 : i32
    %dma_wait3A_477 = arith.constant 0 : i32
    %dma_wait3A_478 = tpu.memref_slice %arg5[%dma_wait3A_471, %dma_wait3A_476, %dma_wait3A_477] : memref<2048x4x1024xf32, #tpu.memory_space<hbm>> -> memref<1x4x1024xf32, #tpu.memory_space<hbm>>
    %dma_wait3A_479 = tpu.memref_squeeze %dma_wait3A_478 : memref<1x4x1024xf32, #tpu.memory_space<hbm>> -> memref<4x1024xf32, #tpu.memory_space<hbm>>
    %dma_wait3A_480 = arith.constant 0 : i32
    %dma_wait3A_481 = arith.constant 0 : i32
    %dma_wait3A_482 = tpu.memref_slice %arg5[%dma_wait3A_471, %dma_wait3A_480, %dma_wait3A_481] : memref<2048x4x1024xf32, #tpu.memory_space<hbm>> -> memref<1x4x1024xf32, #tpu.memory_space<hbm>>
    %dma_wait3A_483 = tpu.memref_squeeze %dma_wait3A_482 : memref<1x4x1024xf32, #tpu.memory_space<hbm>> -> memref<4x1024xf32, #tpu.memory_space<hbm>>
    %dma_wait3A_484 = arith.constant 0 : i32
    %dma_wait3A_485 = arith.constant 0 : i32
    %dma_wait3A_486 = tpu.memref_slice %arg7[%dma_wait3A_470, %dma_wait3A_484, %dma_wait3A_485] : memref<6x16x1024xf32, #tpu.memory_space<vmem>> -> memref<1x4x1024xf32, #tpu.memory_space<vmem>>
    %dma_wait3A_487 = tpu.memref_squeeze %dma_wait3A_486 : memref<1x4x1024xf32, #tpu.memory_space<vmem>> -> memref<4x1024xf32, #tpu.memory_space<vmem>>
    tpu.wait_dma2 semaphore(%arg11 : memref<!tpu.dma_semaphore, #tpu.memory_space<semaphore_mem>>) src(%dma_wait3A_487 : memref<4x1024xf32, #tpu.memory_space<vmem>>) dst(%dma_wait3A_483 : memref<4x1024xf32, #tpu.memory_space<hbm>>)
    %dma_wait3A_488 = arith.constant 0 : i32
    %dma_wait3A_489 = arith.constant 0 : i32
    %dma_wait3A_490 = arith.constant 0 : i32
    %dma_wait3A_491 = arith.constant 0 : i32
    %dma_wait3A_492 = tpu.memref_slice %arg7[%dma_wait3A_488, %dma_wait3A_490, %dma_wait3A_491] : memref<6x16x1024xf32, #tpu.memory_space<vmem>> -> memref<1x4x1024xf32, #tpu.memory_space<vmem>>
    %dma_wait3A_493 = tpu.memref_squeeze %dma_wait3A_492 : memref<1x4x1024xf32, #tpu.memory_space<vmem>> -> memref<4x1024xf32, #tpu.memory_space<vmem>>
    %dma_wait3A_494 = arith.constant 0 : i32
    %dma_wait3A_495 = arith.constant 0 : i32
    %dma_wait3A_496 = tpu.memref_slice %arg5[%dma_wait3A_489, %dma_wait3A_494, %dma_wait3A_495] : memref<2048x4x1024xf32, #tpu.memory_space<hbm>> -> memref<1x4x1024xf32, #tpu.memory_space<hbm>>
    %dma_wait3A_497 = tpu.memref_squeeze %dma_wait3A_496 : memref<1x4x1024xf32, #tpu.memory_space<hbm>> -> memref<4x1024xf32, #tpu.memory_space<hbm>>
    %dma_wait3A_498 = arith.constant 0 : i32
    %dma_wait3A_499 = arith.constant 0 : i32
    %dma_wait3A_500 = tpu.memref_slice %arg5[%dma_wait3A_489, %dma_wait3A_498, %dma_wait3A_499] : memref<2048x4x1024xf32, #tpu.memory_space<hbm>> -> memref<1x4x1024xf32, #tpu.memory_space<hbm>>
    %dma_wait3A_501 = tpu.memref_squeeze %dma_wait3A_500 : memref<1x4x1024xf32, #tpu.memory_space<hbm>> -> memref<4x1024xf32, #tpu.memory_space<hbm>>
    %dma_wait3A_502 = arith.constant 0 : i32
    %dma_wait3A_503 = arith.constant 0 : i32
    %dma_wait3A_504 = tpu.memref_slice %arg7[%dma_wait3A_488, %dma_wait3A_502, %dma_wait3A_503] : memref<6x16x1024xf32, #tpu.memory_space<vmem>> -> memref<1x4x1024xf32, #tpu.memory_space<vmem>>
    %dma_wait3A_505 = tpu.memref_squeeze %dma_wait3A_504 : memref<1x4x1024xf32, #tpu.memory_space<vmem>> -> memref<4x1024xf32, #tpu.memory_space<vmem>>
    tpu.wait_dma2 semaphore(%arg11 : memref<!tpu.dma_semaphore, #tpu.memory_space<semaphore_mem>>) src(%dma_wait3A_505 : memref<4x1024xf32, #tpu.memory_space<vmem>>) dst(%dma_wait3A_501 : memref<4x1024xf32, #tpu.memory_space<hbm>>)
    %dma_wait3A_506 = arith.constant 0 : i32
    %dma_wait3A_507 = arith.constant 0 : i32
    %dma_wait3A_508 = arith.constant 0 : i32
    %dma_wait3A_509 = arith.constant 0 : i32
    %dma_wait3A_510 = tpu.memref_slice %arg7[%dma_wait3A_506, %dma_wait3A_508, %dma_wait3A_509] : memref<6x16x1024xf32, #tpu.memory_space<vmem>> -> memref<1x4x1024xf32, #tpu.memory_space<vmem>>
    %dma_wait3A_511 = tpu.memref_squeeze %dma_wait3A_510 : memref<1x4x1024xf32, #tpu.memory_space<vmem>> -> memref<4x1024xf32, #tpu.memory_space<vmem>>
    %dma_wait3A_512 = arith.constant 0 : i32
    %dma_wait3A_513 = arith.constant 0 : i32
    %dma_wait3A_514 = tpu.memref_slice %arg5[%dma_wait3A_507, %dma_wait3A_512, %dma_wait3A_513] : memref<2048x4x1024xf32, #tpu.memory_space<hbm>> -> memref<1x4x1024xf32, #tpu.memory_space<hbm>>
    %dma_wait3A_515 = tpu.memref_squeeze %dma_wait3A_514 : memref<1x4x1024xf32, #tpu.memory_space<hbm>> -> memref<4x1024xf32, #tpu.memory_space<hbm>>
    %dma_wait3A_516 = arith.constant 0 : i32
    %dma_wait3A_517 = arith.constant 0 : i32
    %dma_wait3A_518 = tpu.memref_slice %arg5[%dma_wait3A_507, %dma_wait3A_516, %dma_wait3A_517] : memref<2048x4x1024xf32, #tpu.memory_space<hbm>> -> memref<1x4x1024xf32, #tpu.memory_space<hbm>>
    %dma_wait3A_519 = tpu.memref_squeeze %dma_wait3A_518 : memref<1x4x1024xf32, #tpu.memory_space<hbm>> -> memref<4x1024xf32, #tpu.memory_space<hbm>>
    %dma_wait3A_520 = arith.constant 0 : i32
    %dma_wait3A_521 = arith.constant 0 : i32
    %dma_wait3A_522 = tpu.memref_slice %arg7[%dma_wait3A_506, %dma_wait3A_520, %dma_wait3A_521] : memref<6x16x1024xf32, #tpu.memory_space<vmem>> -> memref<1x4x1024xf32, #tpu.memory_space<vmem>>
    %dma_wait3A_523 = tpu.memref_squeeze %dma_wait3A_522 : memref<1x4x1024xf32, #tpu.memory_space<vmem>> -> memref<4x1024xf32, #tpu.memory_space<vmem>>
    tpu.wait_dma2 semaphore(%arg11 : memref<!tpu.dma_semaphore, #tpu.memory_space<semaphore_mem>>) src(%dma_wait3A_523 : memref<4x1024xf32, #tpu.memory_space<vmem>>) dst(%dma_wait3A_519 : memref<4x1024xf32, #tpu.memory_space<hbm>>)
    %dma_wait3A_524 = arith.constant 0 : i32
    %dma_wait3A_525 = arith.constant 0 : i32
    %dma_wait3A_526 = arith.constant 0 : i32
    %dma_wait3A_527 = arith.constant 0 : i32
    %dma_wait3A_528 = tpu.memref_slice %arg7[%dma_wait3A_524, %dma_wait3A_526, %dma_wait3A_527] : memref<6x16x1024xf32, #tpu.memory_space<vmem>> -> memref<1x4x1024xf32, #tpu.memory_space<vmem>>
    %dma_wait3A_529 = tpu.memref_squeeze %dma_wait3A_528 : memref<1x4x1024xf32, #tpu.memory_space<vmem>> -> memref<4x1024xf32, #tpu.memory_space<vmem>>
    %dma_wait3A_530 = arith.constant 0 : i32
    %dma_wait3A_531 = arith.constant 0 : i32
    %dma_wait3A_532 = tpu.memref_slice %arg5[%dma_wait3A_525, %dma_wait3A_530, %dma_wait3A_531] : memref<2048x4x1024xf32, #tpu.memory_space<hbm>> -> memref<1x4x1024xf32, #tpu.memory_space<hbm>>
    %dma_wait3A_533 = tpu.memref_squeeze %dma_wait3A_532 : memref<1x4x1024xf32, #tpu.memory_space<hbm>> -> memref<4x1024xf32, #tpu.memory_space<hbm>>
    %dma_wait3A_534 = arith.constant 0 : i32
    %dma_wait3A_535 = arith.constant 0 : i32
    %dma_wait3A_536 = tpu.memref_slice %arg5[%dma_wait3A_525, %dma_wait3A_534, %dma_wait3A_535] : memref<2048x4x1024xf32, #tpu.memory_space<hbm>> -> memref<1x4x1024xf32, #tpu.memory_space<hbm>>
    %dma_wait3A_537 = tpu.memref_squeeze %dma_wait3A_536 : memref<1x4x1024xf32, #tpu.memory_space<hbm>> -> memref<4x1024xf32, #tpu.memory_space<hbm>>
    %dma_wait3A_538 = arith.constant 0 : i32
    %dma_wait3A_539 = arith.constant 0 : i32
    %dma_wait3A_540 = tpu.memref_slice %arg7[%dma_wait3A_524, %dma_wait3A_538, %dma_wait3A_539] : memref<6x16x1024xf32, #tpu.memory_space<vmem>> -> memref<1x4x1024xf32, #tpu.memory_space<vmem>>
    %dma_wait3A_541 = tpu.memref_squeeze %dma_wait3A_540 : memref<1x4x1024xf32, #tpu.memory_space<vmem>> -> memref<4x1024xf32, #tpu.memory_space<vmem>>
    tpu.wait_dma2 semaphore(%arg11 : memref<!tpu.dma_semaphore, #tpu.memory_space<semaphore_mem>>) src(%dma_wait3A_541 : memref<4x1024xf32, #tpu.memory_space<vmem>>) dst(%dma_wait3A_537 : memref<4x1024xf32, #tpu.memory_space<hbm>>)
    return
  }
}

</mosaic_0001>

<sc_bundles>
// kernel: kernel.3.cloned.1.call-start
scs
__scs_entry_jumppad:
0x0: {  	(pc) =	sbr.rel $0x88, $3  }
0x1: {  	(tag) =	ssettag $0x0;
	lr =	simm.s32 $0x1  }
0x2: {  	[smem:$0x3F9E] =	sst lr;
	_ =	strace $0xD0000000  }
0x3: {  	_ = 	snop  }
0x4: {  	_ = 	snop  }
0x5: {  	_ = 	snop  }
0x6: {  	_ = 	snop  }
0x7: {  	_ = 	snop  }
__scs_overlays_trampoline_lowered:
0x8: {  	[smem:$0x3FAD] =	sst s0  }
0x9: {  	[smem:$0x3FAE] =	sst s1  }
0xa: {  	[smem:$0x3FAF] =	sst s2  }
0xb: {  	[smem:$0x3FB0] =	sst s3  }
0xc: {  	[smem:$0x3FB1] =	sst s4  }
0xd: {  	[smem:$0x3FB2] =	sst s5  }
0xe: {  	[smem:$0x3FB3] =	sst s6  }
0xf: {  	[smem:$0x3FB4] =	sst s7  }
0x10: {  	[smem:$0x3FB5] =	sst s8  }
0x11: {  	[smem:$0x3FB6] =	sst s9;
	s0 =	simm.s32 @!p0 $0x0  }
0x12: {  	s1 =	sld [smem:$0x3F9C];
	s0 =	simm.s32 @p0 $0x1  }
0x13: {  	[smem:$0x3FB7] =	sst s0;
	s0 =	simm.s32 @!p1 $0x0  }
0x14: {  	s2 =	sld [smem:$0x3F9B];
	s0 =	simm.s32 @p1 $0x1  }
0x15: {  	[smem:$0x3FB8] =	sst s0;
	s0 =	simm.s32 @!p2 $0x0  }
0x16: {  	s3 =	sld [smem:$0x3FDB];
	s0 =	simm.s32 @p2 $0x1  }
0x17: {  	s4 =	simm.s32 $0x1BF5;
	[smem:$0x3FBA] =	sst s0  }
0x18: {  	s0 =	sld [smem:$0x3F9D];
	_ =	swait.ge [sflag:s4], $0x0  }
0x19: {  	s7 =	sld [smem:$0x3F9E]  }
0x1a: {  	s8 =	sadd.s32 $0xFFFFE003, lr  }
0x1b: {  	s9 =	sadd.s32 $0xFFFFFEF7, lr;
	s5 =	simm.s32 $0xFFFFFFFF;
	p2 =	slt.u32 s8, $0xFFFFF086  }
0x1c: {  	p1 =	slt.u32 s9, $0xF7A;
	s5 =	simm.s32 @!p2 $0x0  }
0x1d: {  	s5 =	simm.s32 @p1 $0x1;
	p0 =	seq.s32 s7, s2  }
0x1e: {  	s7 =	smul.u32 @!p0 $0xF7A, s2;
	p2 =	seq.s32 @!p0 s5, $0x0  }
0x1f: {  	s9 =	smul.u32 $0xF7A, s1;
	s8 =	simm.s32 @!p0 $0x1BF5;
	p2 =	por !p2, p0  }
0x20: {  	[sflag:s8] =	ssyncset.s32 @!p0 $0xFFFFF086;
	s6 =	sadd.s32 @!p0 s3, s7;
	s7 =	simm.s32 @!p0 $0x108  }
0x21: {  	s3 =	sadd.s32 s3, s9;
	s6 =	sadd.s32 @!p0 $0x88, s6;
	s7 =	simm.s32 @p2 $0x1082  }
0x22: {  	[simem:s7], [sflag:s8] =	dma.local @!p0 [hbm:s6], $0xF7A  }
0x23: {  	s9 =	sor.u32 $0xD0000000, s2;
	s6 =	simm.s32 $0x108;
	_ =	swait.ge @!p0 [sflag:s8], $0x0  }
0x24: {  	s3 =	sadd.s32 $0x88, s3;
	s6 =	simm.s32 @!p1 $0x1082;
	[sflag:s4] =	ssyncset.s32 $0xFFFFF086  }
0x25: {  	[simem:s6], [sflag:s4] =	dma.local [hbm:s3], $0xF7A  }
0x26: {  	[smem:$0x3F9E] =	sst s1;
	(tag) =	ssettag s2;
	_ =	strace s9  }
0x27: {  	s1 =	sld [smem:$0x3FAE]  }
0x28: {  	s2 =	sld [smem:$0x3FAF]  }
0x29: {  	s4 =	sld [smem:$0x3FB1]  }
0x2a: {  	p0 =	seq.s32 s5, $0x0;
	s5 =	sld [smem:$0x3FB2]  }
0x2b: {  	s6 =	sld [smem:$0x3FB3]  }
0x2c: {  	s7 =	sld [smem:$0x3FB4]  }
0x2d: {  	s3 =	simm.s32 $0x108;
	s8 =	sld [smem:$0x3FB5]  }
0x2e: {  	s3 =	simm.s32 @!p0 $0x1082;
	s9 =	sld [smem:$0x3FB6]  }
0x2f: {  	lr =	sadd.s32 s0, s3;
	s0 =	sld [smem:$0x3FAD]  }
0x30: {  	s3 =	sld [smem:$0x3FB0]  }
0x31: {  	[smem:$0x3FB9] =	sst s10  }
0x32: {  	s10 =	sld [smem:$0x3FB7];
	_ =	sdelay $0x3  }
0x33: {  	p0 =	seq.s32 s10, $0x1;
	s10 =	sld [smem:$0x3FB9];
	_ =	sdelay $0x3  }
0x34: {  	[smem:$0x3FB9] =	sst s10  }
0x35: {  	s10 =	sld [smem:$0x3FB8];
	_ =	sdelay $0x3  }
0x36: {  	p1 =	seq.s32 s10, $0x1;
	s10 =	sld [smem:$0x3FB9];
	_ =	sdelay $0x3  }
0x37: {  	[smem:$0x3FB9] =	sst s10  }
0x38: {  	s10 =	sld [smem:$0x3FBA]  }
0x39: {  	_ = 	snop;
	(pc) =	sbr.ind lr, $3  }
0x3a: {  	_ = 	snop  }
0x3b: {  	_ = 	snop  }
0x3c: {  	p2 =	seq.s32 s10, $0x1;
	s10 =	sld [smem:$0x3FB9]  }
0x3d: {  	_ =	shalt  }
0x3e: {  	_ =	shalt  }
0x3f: {  	_ =	shalt  }
0x40: {  	_ =	shalt  }
0x41: {  	_ =	shalt  }
0x42: {  	_ =	shalt  }
0x43: {  	_ =	shalt  }
0x44: {  	_ =	shalt  }
0x45: {  	_ =	shalt  }
0x46: {  	_ =	shalt  }
0x47: {  	_ =	shalt  }
0x48: {  	_ =	shalt  }
0x49: {  	_ =	shalt  }
0x4a: {  	_ =	shalt  }
0x4b: {  	_ =	shalt  }
0x4c: {  	_ =	shalt  }
0x4d: {  	_ =	shalt  }
0x4e: {  	_ =	shalt  }
0x4f: {  	_ =	shalt  }
0x50: {  	_ =	shalt  }
0x51: {  	_ =	shalt  }
0x52: {  	_ =	shalt  }
0x53: {  	_ =	shalt  }
0x54: {  	_ =	shalt  }
0x55: {  	_ =	shalt  }
0x56: {  	_ =	shalt  }
0x57: {  	_ =	shalt  }
0x58: {  	_ =	shalt  }
0x59: {  	_ =	shalt  }
0x5a: {  	_ =	shalt  }
0x5b: {  	_ =	shalt  }
0x5c: {  	_ =	shalt  }
0x5d: {  	_ =	shalt  }
0x5e: {  	_ =	shalt  }
0x5f: {  	_ =	shalt  }
0x60: {  	_ =	shalt  }
0x61: {  	_ =	shalt  }
0x62: {  	_ =	shalt  }
0x63: {  	_ =	shalt  }
0x64: {  	_ =	shalt  }
0x65: {  	_ =	shalt  }
0x66: {  	_ =	shalt  }
0x67: {  	_ =	shalt  }
0x68: {  	_ =	shalt  }
0x69: {  	_ =	shalt  }
0x6a: {  	_ =	shalt  }
0x6b: {  	_ =	shalt  }
0x6c: {  	_ =	shalt  }
0x6d: {  	_ =	shalt  }
0x6e: {  	_ =	shalt  }
0x6f: {  	_ =	shalt  }
0x70: {  	_ =	shalt  }
0x71: {  	_ =	shalt  }
0x72: {  	_ =	shalt  }
0x73: {  	_ =	shalt  }
0x74: {  	_ =	shalt  }
0x75: {  	_ =	shalt  }
0x76: {  	_ =	shalt  }
0x77: {  	_ =	shalt  }
0x78: {  	_ =	shalt  }
0x79: {  	_ =	shalt  }
0x7a: {  	_ =	shalt  }
0x7b: {  	_ =	shalt  }
0x7c: {  	_ =	shalt  }
0x7d: {  	_ =	shalt  }
0x7e: {  	_ =	shalt  }
0x7f: {  	_ =	shalt  }
0x80: {  	_ =	shalt  }
0x81: {  	_ =	shalt  }
0x82: {  	_ =	shalt  }
0x83: {  	_ =	shalt  }
0x84: {  	_ =	shalt  }
0x85: {  	_ =	shalt  }
0x86: {  	_ =	shalt  }
0x87: {  	_ =	shalt  }
.Lfunc_end0:
.L_simem_size_0:
called_computation_lowered:
.L_overlay_start_0:
0x88: {  	s2 =	sld [smem:$0x3FD9]  }
0x89: {  	s3 =	sld [smem:$0x3FFE];
	_ =	sdelay $0x1  }
0x8a: {  	s1 =	srdreg.scid  }
0x8b: {  	s0 =	sand.u32 $0x1, s1  }
0x8c: {  	s17 =	sshll.u32 s0, $0xA;
	s2 =	sadd.s32 s3, s2  }
0x8d: {  	s2 =	sadd.s32 s2, s17  }
0x8e: {  	[smem:$0x3FC5] =	sst s2  }
0x8f: {  	_ = 	snop  }
0x90: {  	s2 =	sld [smem:$0x3FC8]  }
0x91: {  	s18 =	sld [smem:$0x3FC7]  }
0x92: {  	s4 =	sld [smem:$0x3FD0];
	(tm) =	ssettm $0x1  }
0x93: {  	s5 =	sld [smem:$0x3FFB];
	_ =	sdelay $0x3  }
0x94: {  	_ =	strace s5  }
0x95: {  	s5 =	sld [smem:$0x3FFC];
	_ =	sdelay $0x3  }
0x96: {  	_ =	strace s5  }
0x97: {  	s5 =	sld [smem:$0x3FFD];
	_ =	sdelay $0x3  }
0x98: {  	_ =	strace s5  }
0x99: {  	_ =	strace $0x8FFFFFFF  }
0x9a: {  	s19 =	sld [smem:$0x3FDB];
	_ =	sdelay $0x1  }
0x9b: {  	s6 =	simm.s32 $_scs_section_size  }
0x9c: {  	s7 =	simm.s32 $_size__tile_overlayer_lowered;
	s8 =	simm.s32 $_tile_overlayer_lowered  }
0x9d: {  	s22 =	simm.s32 $0x1BFF;
	s21 =	sshll.u32 s8, $0x1;
	s5 =	sadd.s32 s6, s19  }
0x9e: {  	s9 =	simm.s32 $0x0;
	s20 =	sshll.u32 s7, $0x1;
	s7 =	sadd.s32 s21, s5  }
0x9f: {  	[timem:s9], [sflag:s22] =	dma.local [hbm:s7], s20  }
0xa0: {  	_ =	swait.ge [sflag:s22], s20  }
0xa1: {  	s6 =	ssub.s32 $0x0, s20;
	[sflag:s22] =	ssyncset.done $0x0  }
0xa2: {  	[sflag:s22] =	ssyncadd.s32 s6;
	_ =	sdelay $0x1  }
0xa3: {  	s23 =	simm.s32 $0x1B8B  }
0xa4: {  	_ =	swait.ge [sflag:s23], $0x1  }
0xa5: {  	[sflag:s23] =	ssyncset.done $0x0  }
0xa6: {  	s25 =	simm.s32 $0x1B8E;
	s24 =	sld [smem:$0x3FFE];
	[sflag:s23] =	ssyncadd.s32 $0xFFFFFFFF  }
0xa7: {  	s26 =	simm.s32 $execute0_lowered;
	[smem:$0x3FD2] =	sst s25  }
0xa8: {  	s7 =	sshll.u32 s26, $0x1;
	_ =	strace $0x80000046;
	[dreg:$0x1] =	wrdreg $0xFFFFFFFF  }
0xa9: {  	s28 =	simm.s32 $_size_execute0_lowered;
	s5 =	sadd.s32 s5, s7;
	[dreg:$0x0] =	wrdreg $0x0  }
0xaa: {  	s7 =	sshll.u32 s28, $0x1;
	[dreg:$0x2] =	wrdreg s5  }
0xab: {  	[dreg:$0x3] =	wrdreg s7  }
0xac: {  	[dreg:$0x4] =	wrdreg $0xC0  }
0xad: {  	_ =	task [dreg:s9], $0x5FFFF  }
0xae: {  	[dreg:$0x1] =	wrdreg $0xFFFFFFFF  }
0xaf: {  	[dreg:$0x0] =	wrdreg $0x60  }
0xb0: {  	[dreg:$0x2] =	wrdreg s24  }
0xb1: {  	[dreg:$0x3] =	wrdreg s2  }
0xb2: {  	[dreg:$0x4] =	wrdreg s18  }
0xb3: {  	[dreg:$0x5] =	wrdreg s4  }
0xb4: {  	[dreg:$0x6] =	wrdreg $0x9  }
0xb5: {  	_ =	task.clear_ibuf [dreg:s9], $0x7FFFF;
	_ =	strace $0x90000046  }
0xb6: {  	s29 =	simm.s32 $0x9;
	_ =	strace $0x80000048  }
0xb7: {  	_ =	swait.ge [sflag:s29], $0x1  }
0xb8: {  	[sflag:s29] =	ssyncadd.s32 $0xFFFFFFFF  }
0xb9: {  	_ =	strace $0x90000048  }
0xba: {  	_ =	sfence  }
0xbb: {  	s30 =	sld [smem:$0x0];
	_ =	sdelay $0x2  }
0xbc: {  	s31 =	sshll.u32 s1, $0xD;
	s1 =	sshrl.u32 s1, $0x2  }
0xbd: {  	s3 =	sand.u32 $0x4000, s31;
	s1 =	sadd.s32 s1, s30  }
0xbe: {  	s0 =	sor.u32 s3, s0;
	s1 =	sshll.u32 s1, $0x11  }
0xbf: {  	s0 =	sor.u32 s1, s0  }
0xc0: {  	s0 =	sadd.s32 $0x8F2B, s0  }
0xc1: {  	[sflag:s0] =	ssyncadd.remote.s32 $0x1  }
0xc2: {  	_ =	sfence.sel $0xFFFF  }
0xc3: {  	[dreg:$0x0] =	wrdreg $0xFFFFFFFF;
	(pc) =	sbr.abs _section_cstart, $3  }
0xc4: {  	[dreg:$0x1] =	wrdreg $0xFFFFFFFF  }
0xc5: {  	_ =	task.clear_ibuf [dreg:s9], $0x2FFFF;
	_ =	strace $0x9FFFFFFF  }
0xc6: {  	(tm) =	ssettm $0x7FFFFFFF  }
0xc7: {  	_ =	shalt  }
tec
execute0_lowered:
.L_overlay_start_1:
0x0: {  	(tag) =	ssettag $0x1  }
0x1: {  	s0 =	rddreg [dreg:$0x0]  }
0x2: {  	s6 =	rddreg [dreg:$0x1];
	s2 =	srdreg.scid  }
0x3: {  	s7 =	rddreg [dreg:$0x2];
	s1 =	stileid.u32  }
0x4: {  	s8 =	rddreg [dreg:$0x3];
	s5 =	simm.s32 $0x0;
	s2 =	sand.u32 $0x1, s2  }
0x5: {  	s3 =	sshll.u32 s1, $0x9;
	[smem:$0x7FF] =	sst s5;
	s24 =	sadd.s32 $0x100, s6  }
0x6: {  	s25 =	sadd.s32 $0x200, s6;
	_ =	strace $0x80000047;
	[dreg:$0x8] =	wrdreg s24  }
0x7: {  	s28 =	sadd.s32 $0x200, s8;
	s29 =	sadd.s32 $0x400, s8;
	[dreg:$0x9] =	wrdreg s25  }
0x8: {  	s30 =	sadd.s32 $0x600, s8;
	s4 =	sshll.u32 s2, $0x8;
	[dreg:$0xd] =	wrdreg s28  }
0x9: {  	s2 =	ssub.s32 $0x2, s2;
	[dreg:$0xe] =	wrdreg s29;
	s1 =	sor.u32 s4, s3  }
0xa: {  	[dreg:$0xf] =	wrdreg s30;
	s22 =	sshrl.u32 s2, $0x1;
	s3 =	sshrl.u32 s1, $0x3  }
0xb: {  	s2 =	ssub.s32 s2, s22;
	[dreg:$0x6] =	wrdreg s1;
	s26 =	sshll.u32 s1, $0x7  }
0xc: {  	s0 =	sadd.s32 s3, s0;
	[dreg:$0xc] =	wrdreg s26;
	s31 =	smax.u32 s2, $0x1  }
0xd: {  	s23 =	sshll.u32 s1, $0x5;
	s0 =	sadd.s32 $0x400, s0;
	[dreg:$0x10] =	wrdreg s31  }
0xe: {  	v2 =	vlaneseq.u32;
	[dreg:$0x7] =	wrdreg s0;
	s0 =	sadd.s32 s7, s23  }
0xf: {  	vm0 =	vmmov $0xffff;
	v1 =	vshrl.u32 v2, $0x3;
	[dreg:$0xa] =	wrdreg s0;
	s0 =	sadd.s32 $0x200, s0  }
0x10: {  	s11 =	sadd.s32 $0x300, s6;
	v0 =	vand.u32 $0x7, v2;
	v2 =	vor.u32 $0x8, v2;
	v1 =	vmul.u32 $0x8, v1;
	s2 =	simm.s32 $0x0;
	[dreg:$0xb] =	wrdreg s0  }
.LBB2_1:
0x11: {  	[dreg:$0x11] =	wrdreg s2  }
0x12: {  	s0 =	rddreg [dreg:$0x7];
	s9 =	simm.s32 $0x4  }
0x13: {  	[tilespmem:s5], [sflag:$0x4] =	stream.linear.gather [hbm4b:s0+s5], $0x100, $0x38;
	[tilespmem:$0x1E100] =	vst v63  }
0x14: {  	_ =	swait.ge [sflag:s9], $0x100  }
0x15: {  	[sflag:s9] =	ssyncset.done $0x0  }
0x16: {  	[sflag:s9] =	ssyncadd.s32 $0xFFFFFF00  }
0x17: {  	v3 =	vld [tilespmem:$0x0];
	_ =	sdelay $0x4  }
0x18: {  	v4 =	vshll.u32 v3, $0x3  }
0x19: {  	v3 =	vand.u32 $0x7, v3;
	v4 =	vand.u32 $0xFFFFFFC0, v4  }
0x1a: {  	v3 =	vor.u32 v3, v4  }
0x1b: {  	v4 =	vperm.xlane v3, v0;
	_ =	sdelay $0x1  }
0x1c: {  	v4 =	vadd.s32 v1, v4;
	_ =	sdelay $0x3  }
0x1d: {  	s1 =	simm.s32 $0x100;
	s0 =	rddreg [dreg:$0x1]  }
0x1e: {  	[tilespmem:s1], [sflag:$0x1] =	stream.indirect_vreg.gather [hbm4b:s0+s5], $0x80, v4, vm0, $0xb8;
	[tilespmem:$0x1E100] =	vst v63  }
0x1f: {  	s12 =	simm.s32 $0x900;
	s10 =	rddreg [dreg:$0x8];
	v3 =	vperm.xlane v3, v2  }
0x20: {  	[tilespmem:s12], [sflag:$0x1] =	stream.indirect_vreg.gather [hbm4b:s10+s5], $0x80, v4, vm0, $0xb8;
	[tilespmem:$0x1E100] =	vst v63  }
0x21: {  	s3 =	simm.s32 $0x1100;
	s13 =	rddreg [dreg:$0x9];
	v3 =	vadd.s32 v1, v3  }
0x22: {  	[tilespmem:s3], [sflag:$0x1] =	stream.indirect_vreg.gather [hbm4b:s13+s5], $0x80, v4, vm0, $0xb8;
	[tilespmem:$0x1E100] =	vst v63  }
0x23: {  	s14 =	simm.s32 $0x1900  }
0x24: {  	[tilespmem:s14], [sflag:$0x1] =	stream.indirect_vreg.gather [hbm4b:s11+s5], $0x80, v4, vm0, $0xb8;
	[tilespmem:$0x1E100] =	vst v63  }
0x25: {  	s15 =	simm.s32 $0x2100  }
0x26: {  	[tilespmem:s15], [sflag:$0x1] =	stream.indirect_vreg.gather [hbm4b:s0+s5], $0x80, v3, vm0, $0xb8;
	[tilespmem:$0x1E100] =	vst v63  }
0x27: {  	s16 =	simm.s32 $0x2900  }
0x28: {  	[tilespmem:s16], [sflag:$0x1] =	stream.indirect_vreg.gather [hbm4b:s10+s5], $0x80, v3, vm0, $0xb8;
	[tilespmem:$0x1E100] =	vst v63  }
0x29: {  	s17 =	simm.s32 $0x3100  }
0x2a: {  	[tilespmem:s17], [sflag:$0x1] =	stream.indirect_vreg.gather [hbm4b:s13+s5], $0x80, v3, vm0, $0xb8;
	[tilespmem:$0x1E100] =	vst v63  }
0x2b: {  	s18 =	simm.s32 $0x3900  }
0x2c: {  	[tilespmem:s18], [sflag:$0x1] =	stream.indirect_vreg.gather [hbm4b:s11+s5], $0x80, v3, vm0, $0xb8;
	[tilespmem:$0x1E100] =	vst v63  }
0x2d: {  	s4 =	simm.s32 $0x18100;
	s19 =	rddreg [dreg:$0xa]  }
0x2e: {  	[tilespmem:s4], [sflag:$0x2] =	stream.linear.gather [hbm4b:s19+s5], $0x1000, $0x38;
	[tilespmem:$0x1E100] =	vst v63  }
0x2f: {  	v3 =	vld [tilespmem:$0x10];
	_ =	sdelay $0x4  }
0x30: {  	v63 =	vshll.u32 v3, $0x3  }
0x31: {  	v3 =	vand.u32 $0x7, v3;
	v4 =	vand.u32 $0xFFFFFFC0, v63  }
0x32: {  	v3 =	vor.u32 v3, v4  }
0x33: {  	v4 =	vperm.xlane v3, v0;
	_ =	sdelay $0x1  }
0x34: {  	v4 =	vadd.s32 v1, v4;
	_ =	sdelay $0x3  }
0x35: {  	s20 =	simm.s32 $0x4100  }
0x36: {  	[tilespmem:s20], [sflag:$0x1] =	stream.indirect_vreg.gather [hbm4b:s0+s5], $0x80, v4, vm0, $0xb8;
	[tilespmem:$0x1E100] =	vst v63  }
0x37: {  	s21 =	simm.s32 $0x4900;
	v3 =	vperm.xlane v3, v2  }
0x38: {  	[tilespmem:s21], [sflag:$0x1] =	stream.indirect_vreg.gather [hbm4b:s10+s5], $0x80, v4, vm0, $0xb8;
	[tilespmem:$0x1E100] =	vst v63  }
0x39: {  	s22 =	simm.s32 $0x5100;
	v3 =	vadd.s32 v1, v3  }
0x3a: {  	[tilespmem:s22], [sflag:$0x1] =	stream.indirect_vreg.gather [hbm4b:s13+s5], $0x80, v4, vm0, $0xb8;
	[tilespmem:$0x1E100] =	vst v63  }
0x3b: {  	s23 =	simm.s32 $0x5900  }
0x3c: {  	[tilespmem:s23], [sflag:$0x1] =	stream.indirect_vreg.gather [hbm4b:s11+s5], $0x80, v4, vm0, $0xb8;
	[tilespmem:$0x1E100] =	vst v63  }
0x3d: {  	s24 =	simm.s32 $0x6100  }
0x3e: {  	[tilespmem:s24], [sflag:$0x1] =	stream.indirect_vreg.gather [hbm4b:s0+s5], $0x80, v3, vm0, $0xb8;
	[tilespmem:$0x1E100] =	vst v63  }
0x3f: {  	s25 =	simm.s32 $0x6900  }
0x40: {  	[tilespmem:s25], [sflag:$0x1] =	stream.indirect_vreg.gather [hbm4b:s10+s5], $0x80, v3, vm0, $0xb8;
	[tilespmem:$0x1E100] =	vst v63  }
0x41: {  	s26 =	simm.s32 $0x7100  }
0x42: {  	[tilespmem:s26], [sflag:$0x1] =	stream.indirect_vreg.gather [hbm4b:s13+s5], $0x80, v3, vm0, $0xb8;
	[tilespmem:$0x1E100] =	vst v63  }
0x43: {  	s29 =	simm.s32 $0x7900  }
0x44: {  	[tilespmem:s29], [sflag:$0x1] =	stream.indirect_vreg.gather [hbm4b:s11+s5], $0x80, v3, vm0, $0xb8;
	[tilespmem:$0x1E100] =	vst v63  }
0x45: {  	s31 =	simm.s32 $0x19100;
	s28 =	simm.s32 $0x0;
	s30 =	rddreg [dreg:$0xb]  }
0x46: {  	[tilespmem:s31], [sflag:$0x2] =	stream.linear.gather [hbm4b:s30+s5], $0x1000, $0x38;
	[tilespmem:$0x1E100] =	vst v63  }
.LBB2_2:
0x47: {  	p0 =	sgt.u32 s28, $0xD  }
0x48: {  	p1 =	slt.u32 @!p0 s28, $0x4  }
0x49: {  	p1 =	por p1, p0  }
0x4a: {  	s0 =	simm.s32 @!p1 $0x3  }
0x4b: {  	_ =	swait.ge @!p1 [sflag:s0], $0x1000  }
0x4c: {  	[sflag:s0] =	ssyncset.done @!p1 $0x0  }
0x4d: {  	[sflag:s0] =	ssyncadd.s32 @!p1 $0xFFFFF000  }
0x4e: {  	_ =	swait.ge @!p1 [sflag:s0], $0x1000  }
0x4f: {  	[sflag:s0] =	ssyncset.done @!p1 $0x0  }
0x50: {  	[sflag:s0] =	ssyncadd.s32 @!p1 $0xFFFFF000  }
0x51: {  	_ =	swait.ge @!p1 [sflag:s0], $0x1000  }
0x52: {  	[sflag:s0] =	ssyncset.done @!p1 $0x0  }
0x53: {  	[sflag:s0] =	ssyncadd.s32 @!p1 $0xFFFFF000  }
0x54: {  	_ =	swait.ge @!p1 [sflag:s0], $0x1000  }
0x55: {  	s2 =	sadd.s32 $0x2, s28;
	[sflag:s0] =	ssyncset.done @!p1 $0x0  }
0x56: {  	[sflag:s0] =	ssyncadd.s32 @!p1 $0xFFFFF000;
	s0 =	sshll.u32 @!p0 s2, $0x4  }
0x57: {  	v3 =	vld @!p0 [tilespmem:s0+$0x0];
	_ =	sdelay $0x4  }
0x58: {  	s3 =	smul.u32 @!p0 $0xAB, s2;
	v4 =	vshll.u32 @!p0 v3, $0x3  }
0x59: {  	v5 =	vlaneseq.u32 @!p0;
	v3 =	vand.u32 @!p0 $0x7, v3;
	v4 =	vand.u32 @!p0 $0xFFFFFFC0, v4  }
0x5a: {  	v6 =	vshrl.u32 @!p0 v5, $0x3;
	s3 =	sshrl.u32 @!p0 s3, $0xA;
	v3 =	vor.u32 @!p0 v3, v4;
	v4 =	vand.u32 @!p0 $0x7, v5  }
0x5b: {  	v6 =	vmul.u32 @!p0 $0x8, v6;
	s3 =	sand.u32 @!p0 $0x3F, s3;
	v4 =	vperm.xlane @!p0 v3, v4  }
0x5c: {  	s3 =	smul.u32 @!p0 $0x6, s3  }
0x5d: {  	v4 =	vadd.s32 @!p0 v6, v4  }
0x5e: {  	s2 =	ssub.s32 @!p0 s2, s3  }
0x5f: {  	s2 =	sand.u32 @!p0 $0xFF, s2  }
0x60: {  	s3 =	sshll.u32 @!p0 s2, $0xE  }
0x61: {  	vm1 =	vmmov @!p0 $0xffff;
	s6 =	simm.s32 @!p0 $0x0;
	s1 =	rddreg [dreg:$0x1];
	s4 =	sor.u32 @!p0 $0x100, s3  }
0x62: {  	v5 =	vor.u32 @!p0 $0x8, v5;
	[tilespmem:s4], [sflag:$0x1] =	stream.indirect_vreg.gather @!p0 [hbm4b:s1+s6], $0x80, v4, vm1, $0xb8;
	[tilespmem:$0x1E100] =	vst v63  }
0x63: {  	s7 =	rddreg [dreg:$0x8];
	v3 =	vperm.xlane @!p0 v3, v5;
	s4 =	sor.u32 @!p0 $0x900, s3  }
0x64: {  	[tilespmem:s4], [sflag:$0x1] =	stream.indirect_vreg.gather @!p0 [hbm4b:s7+s6], $0x80, v4, vm1, $0xb8;
	[tilespmem:$0x1E100] =	vst v63  }
0x65: {  	s8 =	rddreg [dreg:$0x9];
	v3 =	vadd.s32 @!p0 v6, v3;
	s4 =	sor.u32 @!p0 $0x1100, s3  }
0x66: {  	[tilespmem:s4], [sflag:$0x1] =	stream.indirect_vreg.gather @!p0 [hbm4b:s8+s6], $0x80, v4, vm1, $0xb8;
	[tilespmem:$0x1E100] =	vst v63  }
0x67: {  	s4 =	sor.u32 @!p0 $0x1900, s3  }
0x68: {  	[tilespmem:s4], [sflag:$0x1] =	stream.indirect_vreg.gather @!p0 [hbm4b:s11+s6], $0x80, v4, vm1, $0xb8;
	[tilespmem:$0x1E100] =	vst v63  }
0x69: {  	s4 =	sor.u32 @!p0 $0x2100, s3  }
0x6a: {  	[tilespmem:s4], [sflag:$0x1] =	stream.indirect_vreg.gather @!p0 [hbm4b:s1+s6], $0x80, v3, vm1, $0xb8;
	[tilespmem:$0x1E100] =	vst v63  }
0x6b: {  	s22 =	smul.u32 $0xAB, s28;
	s24 =	simm.s32 $0x1;
	s4 =	sor.u32 @!p0 $0x2900, s3  }
0x6c: {  	[tilespmem:s4], [sflag:$0x1] =	stream.indirect_vreg.gather @!p0 [hbm4b:s7+s6], $0x80, v3, vm1, $0xb8;
	[tilespmem:$0x1E100] =	vst v63  }
0x6d: {  	s23 =	sshrl.u32 s22, $0xA;
	s1 =	rddreg [dreg:$0x6];
	s4 =	sor.u32 @!p0 $0x3100, s3  }
0x6e: {  	[tilespmem:s4], [sflag:$0x1] =	stream.indirect_vreg.gather @!p0 [hbm4b:s8+s6], $0x80, v3, vm1, $0xb8;
	[tilespmem:$0x1E100] =	vst v63  }
0x6f: {  	s2 =	sshll.u32 @!p0 s2, $0xC;
	s0 =	sadd.s32 @!p0 s1, s0;
	s3 =	sor.u32 @!p0 $0x3900, s3  }
0x70: {  	[tilespmem:s3], [sflag:$0x1] =	stream.indirect_vreg.gather @!p0 [hbm4b:s11+s6], $0x80, v3, vm1, $0xb8;
	[tilespmem:$0x1E100] =	vst v63  }
0x71: {  	s1 =	rddreg [dreg:$0x2];
	s0 =	sshll.u32 @!p0 s0, $0x5;
	s3 =	sand.u32 $0x3F, s23  }
0x72: {  	s2 =	sor.u32 @!p0 $0x18100, s2;
	s0 =	sadd.s32 @!p0 s1, s0;
	s3 =	smul.u32 $0x6, s3  }
0x73: {  	[tilespmem:s2], [sflag:$0x2] =	stream.linear.gather @!p0 [hbm4b:s0+s6], $0x1000, $0x38;
	[tilespmem:$0x1E100] =	vst v63  }
0x74: {  	_ =	swait.ge [sflag:s24], $0x4000  }
0x75: {  	s25 =	ssub.s32 s28, s3;
	[sflag:s24] =	ssyncset.done $0x0  }
0x76: {  	s26 =	simm.s32 $0x2;
	s0 =	sand.u32 $0xFF, s25;
	[sflag:s24] =	ssyncadd.s32 $0xFFFFC000  }
0x77: {  	s2 =	simm.s32 $0x0;
	s29 =	sshll.u32 s0, $0xE;
	_ =	swait.ge [sflag:s26], $0x1000  }
0x78: {  	s0 =	sshrl.u32 s29, $0x2;
	s30 =	sor.u32 $0x100, s29;
	[sflag:s26] =	ssyncset.done $0x0  }
0x79: {  	s31 =	sadd.s32 $0x18100, s0;
	s0 =	simm.s32 $0x0;
	[sflag:s26] =	ssyncadd.s32 $0xFFFFF000  }
.LBB2_3:
0x7a: {  	s3 =	sshll.u32 s0, $0xC  }
0x7b: {  	s4 =	sshll.u32 s0, $0x9;
	s6 =	sand.u32 $0x2000, s3  }
0x7c: {  	s26 =	sand.u32 $0x1C00, s2;
	s4 =	sand.u32 $0x200, s4;
	s6 =	sadd.s32 s6, s30  }
0x7d: {  	s9 =	sand.u32 $0x40, s2;
	s3 =	sshrl.u32 s3, $0x2;
	s19 =	sadd.s32 s4, s6  }
0x7e: {  	s10 =	sand.u32 $0x380, s2;
	s3 =	sadd.s32 s3, s31;
	s1 =	sadd.s32 s26, s19  }
0x7f: {  	[dreg:$0x5] =	wrdreg s3;
	s20 =	sadd.s32 $0x80, s1;
	s12 =	sadd.s32 s9, s1  }
0x80: {  	s8 =	rddreg [dreg:$0x5];
	s21 =	sadd.s32 $0x100, s1;
	s7 =	sadd.s32 s9, s20;
	v4 =	vld [tilespmem:s12+$0x0]  }
0x81: {  	s10 =	sadd.s32 s10, s8;
	s13 =	sadd.s32 s9, s21;
	v3 =	vld [tilespmem:s7+$0x0]  }
0x82: {  	s6 =	sadd.s32 s9, s10;
	v5 =	vld [tilespmem:s13+$0x0]  }
0x83: {  	s22 =	sadd.s32 $0x180, s1;
	v6 =	vld [tilespmem:s6+$0x0]  }
0x84: {  	s14 =	sadd.s32 s9, s22  }
0x85: {  	v7 =	vld [tilespmem:s14+$0x0]  }
0x86: {  	v4 =	vmul.f32 $3.200000000e+01, v4  }
0x87: {  	v3 =	vmul.f32 $3.200000000e+01, v3  }
0x88: {  	v5 =	vmul.f32 $3.200000000e+01, v5;
	v4 =	vadd.f32 v4, v6  }
0x89: {  	v3 =	vadd.f32 v3, v6  }
0x8a: {  	s17 =	sor.u32 $0x10, s9;
	v7 =	vmul.f32 $3.200000000e+01, v7;
	v5 =	vadd.f32 v5, v6;
	[tilespmem:s12+$0x0] =	vst v4  }
0x8b: {  	s23 =	sadd.s32 s17, s1;
	[tilespmem:s7+$0x0] =	vst v3  }
0x8c: {  	s18 =	sadd.s32 s17, s20;
	v3 =	vadd.f32 v7, v6;
	[tilespmem:s13+$0x0] =	vst v5;
	v5 =	vld [tilespmem:s23+$0x0]  }
0x8d: {  	s24 =	sadd.s32 s17, s21;
	v4 =	vld [tilespmem:s18+$0x0]  }
0x8e: {  	s15 =	sadd.s32 s17, s10;
	[tilespmem:s14+$0x0] =	vst v3;
	v3 =	vld [tilespmem:s24+$0x0]  }
0x8f: {  	s25 =	sadd.s32 s17, s22;
	v6 =	vld [tilespmem:s15+$0x0]  }
0x90: {  	v7 =	vld [tilespmem:s25+$0x0];
	_ =	sdelay $0x1  }
0x91: {  	v4 =	vmul.f32 $3.200000000e+01, v4  }
0x92: {  	v5 =	vmul.f32 $3.200000000e+01, v5  }
0x93: {  	v3 =	vmul.f32 $3.200000000e+01, v3;
	v4 =	vadd.f32 v4, v6  }
0x94: {  	s16 =	sor.u32 $0x20, s9;
	v5 =	vadd.f32 v5, v6;
	v7 =	vmul.f32 $3.200000000e+01, v7  }
0x95: {  	s6 =	sadd.s32 s16, s20;
	v3 =	vadd.f32 v3, v6;
	[tilespmem:s18+$0x0] =	vst v4  }
0x96: {  	s15 =	sadd.s32 s16, s1;
	[tilespmem:s23+$0x0] =	vst v5;
	v4 =	vadd.f32 v7, v6;
	v5 =	vld [tilespmem:s6+$0x0]  }
0x97: {  	s13 =	sadd.s32 s16, s21;
	[tilespmem:s24+$0x0] =	vst v3;
	v6 =	vld [tilespmem:s15+$0x0]  }
0x98: {  	s26 =	sadd.s32 s16, s10;
	[tilespmem:s25+$0x0] =	vst v4;
	v4 =	vld [tilespmem:s13+$0x0]  }
0x99: {  	s14 =	sadd.s32 s16, s22;
	v3 =	vld [tilespmem:s26+$0x0]  }
0x9a: {  	v8 =	vld [tilespmem:s14+$0x0];
	_ =	sdelay $0x1  }
0x9b: {  	v6 =	vmul.f32 $3.200000000e+01, v6  }
0x9c: {  	v5 =	vmul.f32 $3.200000000e+01, v5;
	v4 =	vmul.f32 $3.200000000e+01, v4  }
0x9d: {  	s12 =	simm.s32 $0x40;
	s18 =	sor.u32 $0x30, s9;
	v7 =	vadd.f32 v6, v3  }
0x9e: {  	s17 =	sadd.s32 s18, s10;
	s7 =	sadd.s32 s18, s1;
	s10 =	simm.s32 $0x0;
	v5 =	vadd.f32 v5, v3;
	v6 =	vmul.f32 $3.200000000e+01, v8;
	v4 =	vadd.f32 v4, v3  }
.LBB2_4:
0x9f: {  	[tilespmem:s15+$0x0] =	vst v7  }
0xa0: {  	s25 =	sadd.s32 s18, s20;
	[tilespmem:s6+$0x0] =	vst v5;
	v3 =	vadd.f32 v6, v3;
	v5 =	vld [tilespmem:s7+$0x0]  }
0xa1: {  	s1 =	sadd.s32 s18, s21;
	[tilespmem:s13+$0x0] =	vst v4;
	v4 =	vld [tilespmem:s25+$0x0]  }
0xa2: {  	[tilespmem:s14+$0x0] =	vst v3;
	v3 =	vld [tilespmem:s1+$0x0]  }
0xa3: {  	s16 =	sadd.s32 s18, s22;
	v6 =	vld [tilespmem:s17+$0x0]  }
0xa4: {  	v7 =	vld [tilespmem:s16+$0x0];
	_ =	sdelay $0x1  }
0xa5: {  	s10 =	sadd.s32 $0x200, s10;
	s3 =	rddreg [dreg:$0x5];
	s8 =	sand.u32 $0x380, s12;
	v4 =	vmul.f32 $3.200000000e+01, v4  }
0xa6: {  	s23 =	sand.u32 $0x40, s12;
	s4 =	sand.u32 $0x1C00, s10;
	s9 =	sadd.s32 s8, s3;
	v5 =	vmul.f32 $3.200000000e+01, v5  }
0xa7: {  	s13 =	sor.u32 $0x10, s23;
	s3 =	sor.u32 $0x20, s23;
	s26 =	sadd.s32 s4, s19;
	v3 =	vmul.f32 $3.200000000e+01, v3;
	v4 =	vadd.f32 v4, v6  }
0xa8: {  	s18 =	sor.u32 $0x30, s23;
	s8 =	sadd.s32 s23, s9;
	s20 =	sadd.s32 $0x80, s26;
	v5 =	vadd.f32 v5, v6;
	v7 =	vmul.f32 $3.200000000e+01, v7  }
0xa9: {  	s21 =	sadd.s32 $0x100, s26;
	s22 =	sadd.s32 $0x180, s26;
	s24 =	sadd.s32 s23, s20;
	v3 =	vadd.f32 v3, v6;
	[tilespmem:s25+$0x0] =	vst v4  }
0xaa: {  	s14 =	sadd.s32 s23, s21;
	s6 =	sadd.s32 s23, s22;
	s23 =	sadd.s32 s23, s26;
	[tilespmem:s7+$0x0] =	vst v5;
	v5 =	vadd.f32 v7, v6;
	v4 =	vld [tilespmem:s24+$0x0]  }
0xab: {  	v6 =	vld [tilespmem:s23+$0x0];
	[tilespmem:s1+$0x0] =	vst v3  }
0xac: {  	v3 =	vld [tilespmem:s14+$0x0];
	[tilespmem:s16+$0x0] =	vst v5  }
0xad: {  	v5 =	vld [tilespmem:s8+$0x0]  }
0xae: {  	v7 =	vld [tilespmem:s6+$0x0];
	_ =	sdelay $0x1  }
0xaf: {  	v4 =	vmul.f32 $3.200000000e+01, v4  }
0xb0: {  	v6 =	vmul.f32 $3.200000000e+01, v6  }
0xb1: {  	v3 =	vmul.f32 $3.200000000e+01, v3;
	v4 =	vadd.f32 v4, v5  }
0xb2: {  	v6 =	vadd.f32 v6, v5;
	v7 =	vmul.f32 $3.200000000e+01, v7  }
0xb3: {  	s16 =	sadd.s32 s13, s20;
	v3 =	vadd.f32 v3, v5;
	[tilespmem:s24+$0x0] =	vst v4  }
0xb4: {  	[tilespmem:s23+$0x0] =	vst v6;
	v4 =	vadd.f32 v7, v5;
	s23 =	sadd.s32 s13, s26;
	v5 =	vld [tilespmem:s16+$0x0]  }
0xb5: {  	s24 =	sadd.s32 s13, s21;
	[tilespmem:s14+$0x0] =	vst v3;
	v3 =	vld [tilespmem:s23+$0x0]  }
0xb6: {  	s15 =	sadd.s32 s13, s9;
	[tilespmem:s6+$0x0] =	vst v4;
	v4 =	vld [tilespmem:s24+$0x0]  }
0xb7: {  	s25 =	sadd.s32 s13, s22;
	v6 =	vld [tilespmem:s15+$0x0]  }
0xb8: {  	v7 =	vld [tilespmem:s25+$0x0];
	_ =	sdelay $0x1  }
0xb9: {  	v5 =	vmul.f32 $3.200000000e+01, v5  }
0xba: {  	v3 =	vmul.f32 $3.200000000e+01, v3  }
0xbb: {  	v4 =	vmul.f32 $3.200000000e+01, v4;
	v5 =	vadd.f32 v5, v6  }
0xbc: {  	v3 =	vadd.f32 v3, v6;
	v7 =	vmul.f32 $3.200000000e+01, v7  }
0xbd: {  	s6 =	sadd.s32 s3, s20;
	v4 =	vadd.f32 v4, v6;
	[tilespmem:s16+$0x0] =	vst v5  }
0xbe: {  	s15 =	sadd.s32 s3, s26;
	[tilespmem:s23+$0x0] =	vst v3;
	v3 =	vadd.f32 v7, v6;
	v5 =	vld [tilespmem:s6+$0x0]  }
0xbf: {  	s13 =	sadd.s32 s3, s21;
	[tilespmem:s24+$0x0] =	vst v4;
	v4 =	vld [tilespmem:s15+$0x0]  }
0xc0: {  	s4 =	sadd.s32 s3, s9;
	[tilespmem:s25+$0x0] =	vst v3;
	v6 =	vld [tilespmem:s13+$0x0]  }
0xc1: {  	s14 =	sadd.s32 s3, s22;
	v3 =	vld [tilespmem:s4+$0x0]  }
0xc2: {  	p0 =	sne.s32 s12, $0x3C0;
	v8 =	vld [tilespmem:s14+$0x0]  }
.Ltmp0:
0xc3: {  	_ = 	snop;
	(pc) =	sbr.rel @p0 .LBB2_4-.Ltmp0, $4  }
0xc4: {  	v4 =	vmul.f32 $3.200000000e+01, v4  }
0xc5: {  	v5 =	vmul.f32 $3.200000000e+01, v5;
	v6 =	vmul.f32 $3.200000000e+01, v6  }
0xc6: {  	s17 =	sadd.s32 s18, s9;
	s9 =	sadd.s32 s18, s26;
	v7 =	vadd.f32 v4, v3  }
0xc7: {  	s12 =	sadd.s32 $0x40, s12;
	s7 =	smov.u32 s9;
	v5 =	vadd.f32 v5, v3;
	v4 =	vadd.f32 v6, v3;
	v6 =	vmul.f32 $3.200000000e+01, v8  }
0xc8: {  	[tilespmem:s15+$0x0] =	vst v7  }
0xc9: {  	s1 =	sadd.s32 s18, s20;
	[tilespmem:s6+$0x0] =	vst v5;
	v3 =	vadd.f32 v6, v3;
	v59 =	vld [tilespmem:s7+$0x0]  }
0xca: {  	s3 =	sadd.s32 s18, s21;
	[tilespmem:s13+$0x0] =	vst v4;
	v60 =	vld [tilespmem:s1+$0x0]  }
0xcb: {  	[tilespmem:s14+$0x0] =	vst v3;
	v3 =	vld [tilespmem:s3+$0x0]  }
0xcc: {  	s4 =	sadd.s32 s18, s22;
	v61 =	vld [tilespmem:s17+$0x0]  }
0xcd: {  	v62 =	vld [tilespmem:s4+$0x0];
	_ =	sdelay $0x1  }
0xce: {  	v4 =	vmul.f32 $3.200000000e+01, v60  }
0xcf: {  	s0 =	sadd.s32 $0x1, s0;
	v5 =	vmul.f32 $3.200000000e+01, v59  }
0xd0: {  	p0 =	sne.s32 s0, $0x4;
	v3 =	vmul.f32 $3.200000000e+01, v3;
	v4 =	vadd.f32 v4, v61  }
.Ltmp1:
0xd1: {  	v5 =	vadd.f32 v5, v61;
	v7 =	vmul.f32 $3.200000000e+01, v62;
	(pc) =	sbr.rel @p0 .LBB2_3-.Ltmp1, $4  }
0xd2: {  	v3 =	vadd.f32 v3, v61;
	[tilespmem:s1+$0x0] =	vst v4  }
0xd3: {  	[tilespmem:s7+$0x0] =	vst v5;
	v63 =	vadd.f32 v7, v61  }
0xd4: {  	[tilespmem:s3+$0x0] =	vst v3  }
0xd5: {  	[tilespmem:s4+$0x0] =	vst v63  }
0xd6: {  	s0 =	sshll.u32 s28, $0xB;
	s1 =	rddreg [dreg:$0xc]  }
0xd7: {  	s20 =	rddreg [dreg:$0x3];
	s0 =	sadd.s32 s1, s0  }
0xd8: {  	s1 =	sadd.s32 s20, s0  }
0xd9: {  	[hbm4b:s1+s5] =	stream.linear.scatter [tilespmem:s30], [sflag:$0x3], $0x200, $0x38;
	[tilespmem:$0x1E100] =	vst v63  }
0xda: {  	s2 =	sadd.s32 $0x500, s29;
	s3 =	sadd.s32 $0x40, s1  }
0xdb: {  	[hbm4b:s3+s5] =	stream.linear.scatter [tilespmem:s2], [sflag:$0x3], $0x200, $0x38;
	[tilespmem:$0x1E100] =	vst v63  }
0xdc: {  	s21 =	sadd.s32 $0x900, s29;
	s22 =	sadd.s32 $0x80, s1  }
0xdd: {  	[hbm4b:s22+s5] =	stream.linear.scatter [tilespmem:s21], [sflag:$0x3], $0x200, $0x38;
	[tilespmem:$0x1E100] =	vst v63  }
0xde: {  	s23 =	sadd.s32 $0xD00, s29;
	s24 =	sadd.s32 $0xC0, s1  }
0xdf: {  	[hbm4b:s24+s5] =	stream.linear.scatter [tilespmem:s23], [sflag:$0x3], $0x200, $0x38;
	[tilespmem:$0x1E100] =	vst v63  }
0xe0: {  	s25 =	sadd.s32 $0x1100, s29;
	s26 =	sadd.s32 $0x100, s1  }
0xe1: {  	[hbm4b:s26+s5] =	stream.linear.scatter [tilespmem:s25], [sflag:$0x3], $0x200, $0x38;
	[tilespmem:$0x1E100] =	vst v63  }
0xe2: {  	s30 =	sadd.s32 $0x1500, s29;
	s31 =	sadd.s32 $0x140, s1  }
0xe3: {  	[hbm4b:s31+s5] =	stream.linear.scatter [tilespmem:s30], [sflag:$0x3], $0x200, $0x38;
	[tilespmem:$0x1E100] =	vst v63  }
0xe4: {  	s4 =	sadd.s32 $0x180, s1;
	s3 =	sadd.s32 $0x1900, s29  }
0xe5: {  	[hbm4b:s4+s5] =	stream.linear.scatter [tilespmem:s3], [sflag:$0x3], $0x200, $0x38;
	[tilespmem:$0x1E100] =	vst v63  }
0xe6: {  	s6 =	sadd.s32 $0x1D00, s29;
	s7 =	rddreg [dreg:$0xd];
	s1 =	sadd.s32 $0x1C0, s1  }
0xe7: {  	[hbm4b:s1+s5] =	stream.linear.scatter [tilespmem:s6], [sflag:$0x3], $0x200, $0x38;
	[tilespmem:$0x1E100] =	vst v63  }
0xe8: {  	s8 =	sadd.s32 $0x300, s29;
	s1 =	sadd.s32 s0, s7  }
0xe9: {  	[hbm4b:s1+s5] =	stream.linear.scatter [tilespmem:s8], [sflag:$0x3], $0x200, $0x38;
	[tilespmem:$0x1E100] =	vst v63  }
0xea: {  	s9 =	sadd.s32 $0x700, s29;
	s10 =	sadd.s32 $0x40, s1  }
0xeb: {  	[hbm4b:s10+s5] =	stream.linear.scatter [tilespmem:s9], [sflag:$0x3], $0x200, $0x38;
	[tilespmem:$0x1E100] =	vst v63  }
0xec: {  	s12 =	sadd.s32 $0xB00, s29;
	s13 =	sadd.s32 $0x80, s1  }
0xed: {  	[hbm4b:s13+s5] =	stream.linear.scatter [tilespmem:s12], [sflag:$0x3], $0x200, $0x38;
	[tilespmem:$0x1E100] =	vst v63  }
0xee: {  	s14 =	sadd.s32 $0xF00, s29;
	s15 =	sadd.s32 $0xC0, s1  }
0xef: {  	[hbm4b:s15+s5] =	stream.linear.scatter [tilespmem:s14], [sflag:$0x3], $0x200, $0x38;
	[tilespmem:$0x1E100] =	vst v63  }
0xf0: {  	s16 =	sadd.s32 $0x1300, s29;
	s17 =	sadd.s32 $0x100, s1  }
0xf1: {  	[hbm4b:s17+s5] =	stream.linear.scatter [tilespmem:s16], [sflag:$0x3], $0x200, $0x38;
	[tilespmem:$0x1E100] =	vst v63  }
0xf2: {  	s18 =	sadd.s32 $0x1700, s29;
	s19 =	sadd.s32 $0x140, s1  }
0xf3: {  	[hbm4b:s19+s5] =	stream.linear.scatter [tilespmem:s18], [sflag:$0x3], $0x200, $0x38;
	[tilespmem:$0x1E100] =	vst v63  }
0xf4: {  	s20 =	sadd.s32 $0x1B00, s29;
	s21 =	sadd.s32 $0x180, s1  }
0xf5: {  	[hbm4b:s21+s5] =	stream.linear.scatter [tilespmem:s20], [sflag:$0x3], $0x200, $0x38;
	[tilespmem:$0x1E100] =	vst v63  }
0xf6: {  	s22 =	sadd.s32 $0x1F00, s29;
	s23 =	rddreg [dreg:$0xe];
	s1 =	sadd.s32 $0x1C0, s1  }
0xf7: {  	[hbm4b:s1+s5] =	stream.linear.scatter [tilespmem:s22], [sflag:$0x3], $0x200, $0x38;
	[tilespmem:$0x1E100] =	vst v63  }
0xf8: {  	s24 =	sadd.s32 $0x2100, s29;
	s1 =	sadd.s32 s0, s23  }
0xf9: {  	[hbm4b:s1+s5] =	stream.linear.scatter [tilespmem:s24], [sflag:$0x3], $0x200, $0x38;
	[tilespmem:$0x1E100] =	vst v63  }
0xfa: {  	s25 =	sadd.s32 $0x2500, s29;
	s26 =	sadd.s32 $0x40, s1  }
0xfb: {  	[hbm4b:s26+s5] =	stream.linear.scatter [tilespmem:s25], [sflag:$0x3], $0x200, $0x38;
	[tilespmem:$0x1E100] =	vst v63  }
0xfc: {  	s30 =	sadd.s32 $0x2900, s29;
	s31 =	sadd.s32 $0x80, s1  }
0xfd: {  	[hbm4b:s31+s5] =	stream.linear.scatter [tilespmem:s30], [sflag:$0x3], $0x200, $0x38;
	[tilespmem:$0x1E100] =	vst v63  }
0xfe: {  	s3 =	sadd.s32 $0x2D00, s29;
	s4 =	sadd.s32 $0xC0, s1  }
0xff: {  	[hbm4b:s4+s5] =	stream.linear.scatter [tilespmem:s3], [sflag:$0x3], $0x200, $0x38;
	[tilespmem:$0x1E100] =	vst v63  }
0x100: {  	s6 =	sadd.s32 $0x3100, s29;
	s7 =	sadd.s32 $0x100, s1  }
0x101: {  	[hbm4b:s7+s5] =	stream.linear.scatter [tilespmem:s6], [sflag:$0x3], $0x200, $0x38;
	[tilespmem:$0x1E100] =	vst v63  }
0x102: {  	s8 =	sadd.s32 $0x3500, s29;
	s9 =	sadd.s32 $0x140, s1  }
0x103: {  	[hbm4b:s9+s5] =	stream.linear.scatter [tilespmem:s8], [sflag:$0x3], $0x200, $0x38;
	[tilespmem:$0x1E100] =	vst v63  }
0x104: {  	s10 =	sadd.s32 $0x3900, s29;
	s12 =	sadd.s32 $0x180, s1  }
0x105: {  	[hbm4b:s12+s5] =	stream.linear.scatter [tilespmem:s10], [sflag:$0x3], $0x200, $0x38;
	[tilespmem:$0x1E100] =	vst v63  }
0x106: {  	s13 =	sadd.s32 $0x3D00, s29;
	s14 =	rddreg [dreg:$0xf];
	s1 =	sadd.s32 $0x1C0, s1  }
0x107: {  	[hbm4b:s1+s5] =	stream.linear.scatter [tilespmem:s13], [sflag:$0x3], $0x200, $0x38;
	[tilespmem:$0x1E100] =	vst v63  }
0x108: {  	s15 =	sadd.s32 $0x2300, s29;
	s0 =	sadd.s32 s0, s14  }
0x109: {  	[hbm4b:s0+s5] =	stream.linear.scatter [tilespmem:s15], [sflag:$0x3], $0x200, $0x38;
	[tilespmem:$0x1E100] =	vst v63  }
0x10a: {  	s16 =	sadd.s32 $0x2700, s29;
	s17 =	sadd.s32 $0x40, s0  }
0x10b: {  	[hbm4b:s17+s5] =	stream.linear.scatter [tilespmem:s16], [sflag:$0x3], $0x200, $0x38;
	[tilespmem:$0x1E100] =	vst v63  }
0x10c: {  	s18 =	sadd.s32 $0x2B00, s29;
	s19 =	sadd.s32 $0x80, s0  }
0x10d: {  	[hbm4b:s19+s5] =	stream.linear.scatter [tilespmem:s18], [sflag:$0x3], $0x200, $0x38;
	[tilespmem:$0x1E100] =	vst v63  }
0x10e: {  	s20 =	sadd.s32 $0x2F00, s29;
	s21 =	sadd.s32 $0xC0, s0  }
0x10f: {  	[hbm4b:s21+s5] =	stream.linear.scatter [tilespmem:s20], [sflag:$0x3], $0x200, $0x38;
	[tilespmem:$0x1E100] =	vst v63  }
0x110: {  	s28 =	sadd.s32 $0x1, s28;
	s22 =	sadd.s32 $0x3300, s29;
	s23 =	sadd.s32 $0x100, s0  }
0x111: {  	[hbm4b:s23+s5] =	stream.linear.scatter [tilespmem:s22], [sflag:$0x3], $0x200, $0x38;
	[tilespmem:$0x1E100] =	vst v63  }
0x112: {  	p0 =	sne.s32 s28, $0x10;
	s24 =	sadd.s32 $0x3700, s29;
	s25 =	sadd.s32 $0x140, s0  }
0x113: {  	[hbm4b:s25+s5] =	stream.linear.scatter [tilespmem:s24], [sflag:$0x3], $0x200, $0x38;
	[tilespmem:$0x1E100] =	vst v63  }
.Ltmp2:
0x114: {  	_ = 	snop;
	(pc) =	sbr.rel @p0 .LBB2_2-.Ltmp2, $4  }
0x115: {  	s26 =	sadd.s32 $0x3B00, s29;
	s30 =	sadd.s32 $0x180, s0  }
0x116: {  	[hbm4b:s30+s5] =	stream.linear.scatter [tilespmem:s26], [sflag:$0x3], $0x200, $0x38;
	[tilespmem:$0x1E100] =	vst v63  }
0x117: {  	s31 =	sadd.s32 $0x3F00, s29;
	s0 =	sadd.s32 $0x1C0, s0  }
0x118: {  	[hbm4b:s0+s5] =	stream.linear.scatter [tilespmem:s31], [sflag:$0x3], $0x200, $0x38;
	[tilespmem:$0x1E100] =	vst v63  }
0x119: {  	s1 =	simm.s32 $0x3  }
0x11a: {  	_ =	swait.ge [sflag:s1], $0x1000  }
0x11b: {  	[sflag:s1] =	ssyncset.done $0x0  }
0x11c: {  	[sflag:s1] =	ssyncadd.s32 $0xFFFFF000  }
0x11d: {  	_ =	swait.ge [sflag:s1], $0x1000  }
0x11e: {  	[sflag:s1] =	ssyncset.done $0x0  }
0x11f: {  	[sflag:s1] =	ssyncadd.s32 $0xFFFFF000  }
0x120: {  	_ =	swait.ge [sflag:s1], $0x1000  }
0x121: {  	[sflag:s1] =	ssyncset.done $0x0  }
0x122: {  	[sflag:s1] =	ssyncadd.s32 $0xFFFFF000  }
0x123: {  	_ =	swait.ge [sflag:s1], $0x1000  }
0x124: {  	[sflag:s1] =	ssyncset.done $0x0  }
0x125: {  	[sflag:s1] =	ssyncadd.s32 $0xFFFFF000  }
0x126: {  	_ =	swait.ge [sflag:s1], $0x1000  }
0x127: {  	[sflag:s1] =	ssyncset.done $0x0  }
0x128: {  	[sflag:s1] =	ssyncadd.s32 $0xFFFFF000  }
0x129: {  	_ =	swait.ge [sflag:s1], $0x1000  }
0x12a: {  	[sflag:s1] =	ssyncset.done $0x0  }
0x12b: {  	[sflag:s1] =	ssyncadd.s32 $0xFFFFF000  }
0x12c: {  	_ =	swait.ge [sflag:s1], $0x1000  }
0x12d: {  	[sflag:s1] =	ssyncset.done $0x0  }
0x12e: {  	[sflag:s1] =	ssyncadd.s32 $0xFFFFF000  }
0x12f: {  	_ =	swait.ge [sflag:s1], $0x1000  }
0x130: {  	[sflag:s1] =	ssyncset.done $0x0  }
0x131: {  	[sflag:s1] =	ssyncadd.s32 $0xFFFFF000  }
0x132: {  	_ =	swait.ge [sflag:s1], $0x1000  }
0x133: {  	[sflag:s1] =	ssyncset.done $0x0  }
0x134: {  	[sflag:s1] =	ssyncadd.s32 $0xFFFFF000  }
0x135: {  	_ =	swait.ge [sflag:s1], $0x1000  }
0x136: {  	[sflag:s1] =	ssyncset.done $0x0  }
0x137: {  	[sflag:s1] =	ssyncadd.s32 $0xFFFFF000  }
0x138: {  	_ =	swait.ge [sflag:s1], $0x1000  }
0x139: {  	[sflag:s1] =	ssyncset.done $0x0  }
0x13a: {  	[sflag:s1] =	ssyncadd.s32 $0xFFFFF000  }
0x13b: {  	_ =	swait.ge [sflag:s1], $0x1000  }
0x13c: {  	[sflag:s1] =	ssyncset.done $0x0  }
0x13d: {  	[sflag:s1] =	ssyncadd.s32 $0xFFFFF000  }
0x13e: {  	_ =	swait.ge [sflag:s1], $0x1000  }
0x13f: {  	[sflag:s1] =	ssyncset.done $0x0  }
0x140: {  	[sflag:s1] =	ssyncadd.s32 $0xFFFFF000  }
0x141: {  	_ =	swait.ge [sflag:s1], $0x1000  }
0x142: {  	[sflag:s1] =	ssyncset.done $0x0  }
0x143: {  	[sflag:s1] =	ssyncadd.s32 $0xFFFFF000  }
0x144: {  	_ =	swait.ge [sflag:s1], $0x1000  }
0x145: {  	[sflag:s1] =	ssyncset.done $0x0  }
0x146: {  	[sflag:s1] =	ssyncadd.s32 $0xFFFFF000  }
0x147: {  	_ =	swait.ge [sflag:s1], $0x1000  }
0x148: {  	[sflag:s1] =	ssyncset.done $0x0  }
0x149: {  	[sflag:s1] =	ssyncadd.s32 $0xFFFFF000  }
0x14a: {  	_ =	swait.ge [sflag:s1], $0x1000  }
0x14b: {  	[sflag:s1] =	ssyncset.done $0x0  }
0x14c: {  	[sflag:s1] =	ssyncadd.s32 $0xFFFFF000  }
0x14d: {  	_ =	swait.ge [sflag:s1], $0x1000  }
0x14e: {  	[sflag:s1] =	ssyncset.done $0x0  }
0x14f: {  	[sflag:s1] =	ssyncadd.s32 $0xFFFFF000  }
0x150: {  	_ =	swait.ge [sflag:s1], $0x1000  }
0x151: {  	[sflag:s1] =	ssyncset.done $0x0  }
0x152: {  	[sflag:s1] =	ssyncadd.s32 $0xFFFFF000  }
0x153: {  	_ =	swait.ge [sflag:s1], $0x1000  }
0x154: {  	[sflag:s1] =	ssyncset.done $0x0  }
0x155: {  	[sflag:s1] =	ssyncadd.s32 $0xFFFFF000  }
0x156: {  	_ =	swait.ge [sflag:s1], $0x1000  }
0x157: {  	[sflag:s1] =	ssyncset.done $0x0  }
0x158: {  	[sflag:s1] =	ssyncadd.s32 $0xFFFFF000  }
0x159: {  	_ =	swait.ge [sflag:s1], $0x1000  }
0x15a: {  	[sflag:s1] =	ssyncset.done $0x0  }
0x15b: {  	[sflag:s1] =	ssyncadd.s32 $0xFFFFF000  }
0x15c: {  	_ =	swait.ge [sflag:s1], $0x1000  }
0x15d: {  	[sflag:s1] =	ssyncset.done $0x0  }
0x15e: {  	[sflag:s1] =	ssyncadd.s32 $0xFFFFF000  }
0x15f: {  	_ =	swait.ge [sflag:s1], $0x1000  }
0x160: {  	s2 =	rddreg [dreg:$0x11]  }
0x161: {  	s0 =	rddreg [dreg:$0x10];
	s2 =	sadd.s32 $0x1, s2  }
0x162: {  	p0 =	sne.s32 s2, s0  }
.Ltmp3:
0x163: {  	_ = 	snop;
	(pc) =	sbr.rel @p0 .LBB2_1-.Ltmp3, $3  }
0x164: {  	_ =	sdelay $0x1  }
0x165: {  	[sflag:s1] =	ssyncset.done $0x0  }
0x166: {  	[sflag:s1] =	ssyncadd.s32 $0xFFFFF000  }
0x167: {  	_ =	sfence.sel $0x180000  }
0x168: {  	[bflag:$0x0] =	sbarrier.arrive $0xFFFF  }
0x169: {  	_ =	strace $0x90000047  }
0x16a: {  	s0 =	stileid.u32;
	[bflag:$0x2] =	sbarrier.arrive $0xFFFF  }
0x16b: {  	p0 =	sne.s32 s0, $0x0;
	s0 =	rddreg [dreg:$0x4]  }
0x16c: {  	s0 =	sadd.s32 @!p0 $0x100000, s0  }
0x16d: {  	[sflag:s0] =	ssyncadd.tile.s32 @!p0 $0x1;
	_ =	shalt  }
.Lfunc_end2:
_tile_overlayer_lowered:
.L_overlay_start_2:
0x16e: {  	(tag) =	ssettag $0x2  }
0x16f: {  	s0 =	rddreg [dreg:$0x0];
	s2 =	stileid.u32  }
0x170: {  	s1 =	rddreg [dreg:$0x1];
	p0 =	sne.s32 s2, $0x0  }
0x171: {  	s3 =	rddreg [dreg:$0x2];
	[bflag:$0x3] =	sbarrier.arrive $0xFFFF;
	s2 =	simm.s32 @!p0 $0x1C04  }
0x172: {  	[timem:s3], [sflag:s2] =	dma.local @!p0 [hbm:s0], s1  }
0x173: {  	s0 =	simm.s32 @!p0 $0x4  }
0x174: {  	_ =	swait.ge @!p0 [sflag:s0], s1  }
0x175: {  	s1 =	ssub.s32 @!p0 $0x0, s1;
	[sflag:s0] =	ssyncset.done @!p0 $0x0  }
0x176: {  	[sflag:s0] =	ssyncadd.s32 @!p0 s1  }
0x177: {  	[bflag:$0x3] =	sbarrier.arrive $0xFFFF  }
0x178: {  	_ =	shalt  }

</sc_bundles>
